<compile_context>
chip_gen: v7x
topology: tpu7x:2x2x1
jax: 0.10.2.dev20260603
libtpu: 0.0.44.dev20260713+nightly
codegen_flags: <defaults>
</compile_context>

<pallas_src>
import functools

import jax
import jax.numpy as jnp
from jax import lax
from jax.experimental import pallas as pl
from jax.experimental.pallas import tpu as pltpu
from jax.experimental.pallas import tpu_sc as plsc

_K = 15
_P = 128
_F32 = jnp.float32

_NC, _NS, _L = 2, 16, 16
_NW = _NC * _NS
_CH = 128


def _stage1_kernel(lc1_ref, w10_ref, b10_ref, w11_ref, b11_ref, w12_ref, b12_ref,
                   w20b_ref, out_ref):
    def mm(a, b):
        return jnp.dot(a, b, preferred_element_type=_F32)

    def unpack(pre, c):
        return jnp.concatenate([pre[:, c * k: c * (k + 1)] for k in range(_K)], axis=0)

    a1 = unpack(mm(lc1_ref[0], w10_ref[...]), 64)
    h = jnp.maximum(a1 + b10_ref[...], 0.0)
    h = jnp.maximum(mm(h, w11_ref[...]) + b11_ref[...], 0.0)
    h = jnp.maximum(mm(h, w12_ref[...]) + b12_ref[...], 0.0)
    p1 = jnp.max(h.reshape(_K, _P, 128), axis=0)
    out_ref[0] = mm(p1, w20b_ref[...])


def _sc_gather(table, idx, n_rows):
    b_per_w = n_rows // _NW
    n_ch = b_per_w // _CH
    mesh = plsc.VectorSubcoreMesh(core_axis_name="c", subcore_axis_name="s")

    @functools.partial(
        pl.kernel, mesh=mesh,
        out_type=jax.ShapeDtypeStruct((n_rows, 128), _F32),
        scratch_types=[
            pltpu.VMEM((_CH,), jnp.int32),
            pltpu.VMEM((_CH, 128), _F32),
            pltpu.SemaphoreType.DMA,
        ],
    )
    def k(table_hbm, idx_hbm, out_hbm, idx_v, rows_v, sem):
        wid = lax.axis_index("s") * _NC + lax.axis_index("c")
        base = wid * b_per_w

        def body(i, carry):
            off = base + i * _CH
            pltpu.sync_copy(idx_hbm.at[pl.ds(off, _CH)], idx_v)
            pltpu.async_copy(table_hbm.at[idx_v], rows_v, sem).wait()
            pltpu.sync_copy(rows_v, out_hbm.at[pl.ds(off, _CH)])
            return carry

        lax.fori_loop(0, n_ch, body, 0)

    return k(table, idx)


def _stage23_kernel(g2_ref, lc2_ref, lc3_ref, nb3_ref,
                    w20a_ref, b20_ref, w21_ref, b21_ref, w22_ref, b22_ref,
                    w30a_ref, w30b_ref, b30_ref, w31_ref, b31_ref, w32_ref, b32_ref,
                    out_ref):
    def mm(a, b):
        return jnp.dot(a, b, preferred_element_type=_F32)

    def unpack(pre, c):
        return jnp.concatenate([pre[:, c * k: c * (k + 1)] for k in range(_K)], axis=0)

    c2 = unpack(mm(lc2_ref[0], w20a_ref[...]), 128)
    h = jnp.maximum(c2 + g2_ref[0] + b20_ref[...], 0.0)
    h = jnp.maximum(mm(h, w21_ref[...]) + b21_ref[...], 0.0)
    h = jnp.maximum(mm(h, w22_ref[...]) + b22_ref[...], 0.0)
    p2 = jnp.max(h.reshape(_K, _P, 256), axis=0)

    nbp3 = nb3_ref[0]
    iota1 = jax.lax.broadcasted_iota(jnp.int32, (1, _P), 1)
    oh3 = jnp.concatenate(
        [(nbp3[:, k: k + 1] == iota1).astype(_F32) for k in range(_K)], axis=0)
    g3 = mm(oh3, mm(p2, w30b_ref[...]))
    c3 = unpack(mm(lc3_ref[0], w30a_ref[...]), 256)
    h = jnp.maximum(c3 + g3 + b30_ref[...], 0.0)
    h = jnp.maximum(mm(h, w31_ref[...]) + b31_ref[...], 0.0)
    h = jnp.maximum(mm(h, w32_ref[...]) + b32_ref[...], 0.0)
    out_ref[0] = jnp.max(h, axis=0, keepdims=True)


def _head_kernel(x_ref, w1_ref, b1_ref, w2_ref, b2_ref, w3_ref, b3_ref,
                 g1_ref, be1_ref, g2_ref, be2_ref, out_ref):
    def mm(a, b):
        return jnp.dot(a, b, preferred_element_type=_F32)

    def bn_relu(h, g, be):
        m = jnp.mean(h, axis=0, keepdims=True)
        v = jnp.mean((h - m) * (h - m), axis=0, keepdims=True)
        return jnp.maximum((h - m) / jnp.sqrt(v + 1e-5) * g + be, 0.0)

    x = x_ref[...]
    h = bn_relu(mm(x, w1_ref[...]) + b1_ref[...], g1_ref[...], be1_ref[...])
    h = bn_relu(mm(h, w2_ref[...]) + b2_ref[...], g2_ref[...], be2_ref[...])
    o = mm(h, w3_ref[...]) + b3_ref[...]
    mx = jnp.max(o, axis=1, keepdims=True)
    lse = jnp.log(jnp.sum(jnp.exp(o - mx), axis=1, keepdims=True))
    out_ref[...] = o - mx - lse


def kernel(xyz, local_coordinates, neighbor_lists, data_idx_lists,
           sa1_W0, sa1_b0, sa1_W1, sa1_b1, sa1_W2, sa1_b2,
           sa2_W0, sa2_b0, sa2_W1, sa2_b1, sa2_W2, sa2_b2,
           sa3_W0, sa3_b0, sa3_W1, sa3_b1, sa3_W2, sa3_b2,
           fc1_W, fc1_b, fc2_W, fc2_b, fc3_W, fc3_b,
           bn1_g, bn1_b, bn2_g, bn2_b):
    B = local_coordinates.shape[0]

    lc1 = local_coordinates[:, : _P * _K, :].reshape(B, _P, _K * 3)
    lc2 = local_coordinates[:, 512 * _K: 512 * _K + _P * _K, :].reshape(B, _P, _K * 3)
    lc3 = local_coordinates[:, 640 * _K: 640 * _K + _K, :].reshape(B, 1, _K * 3)
    nb2 = neighbor_lists[:, 512:640, :]
    idx = (nb2.transpose(0, 2, 1)
           + (jnp.arange(B, dtype=jnp.int32) * _P)[:, None, None]).reshape(-1)
    nb3 = neighbor_lists[:, 640:641, :]

    eye = jnp.eye(_K, dtype=_F32)
    row = lambda v: v.reshape(1, -1)

    def batch_spec(n, c):
        return pl.BlockSpec((1, n, c), lambda b: (b, 0, 0))

    def full_spec(a):
        return pl.BlockSpec(a.shape, lambda b: (0,) * a.ndim)

    w1s = (jnp.kron(eye, sa1_W0), row(sa1_b0), sa1_W1, row(sa1_b1),
           sa1_W2, row(sa1_b2), sa2_W0[3:])
    q1 = pl.pallas_call(
        _stage1_kernel,
        grid=(B,),
        in_specs=[batch_spec(_P, _K * 3)] + [full_spec(w) for w in w1s],
        out_specs=pl.BlockSpec((1, _P, 128), lambda b: (b, 0, 0)),
        out_shape=jax.ShapeDtypeStruct((B, _P, 128), _F32),
    )(lc1, *w1s)

    g2 = _sc_gather(q1.reshape(B * _P, 128), idx, B * _P * _K)
    g2 = g2.reshape(B, _P * _K, 128)

    w2s = (jnp.kron(eye, sa2_W0[:3]), row(sa2_b0), sa2_W1, row(sa2_b1),
           sa2_W2, row(sa2_b2),
           jnp.kron(eye, sa3_W0[:3]), sa3_W0[3:], row(sa3_b0),
           sa3_W1, row(sa3_b1), sa3_W2, row(sa3_b2))
    feat = pl.pallas_call(
        _stage23_kernel,
        grid=(B,),
        in_specs=[batch_spec(_P * _K, 128), batch_spec(_P, _K * 3),
                  batch_spec(1, _K * 3), batch_spec(1, _K)]
                 + [full_spec(w) for w in w2s],
        out_specs=pl.BlockSpec((1, 1, 1024), lambda b: (b, 0, 0)),
        out_shape=jax.ShapeDtypeStruct((B, 1, 1024), _F32),
    )(g2, lc2, lc3, nb3, *w2s)

    x = feat.reshape(B, 1024)
    head_ins = (fc1_W, row(fc1_b), fc2_W, row(fc2_b), fc3_W, row(fc3_b),
                row(bn1_g), row(bn1_b), row(bn2_g), row(bn2_b))
    out = pl.pallas_call(
        _head_kernel,
        in_specs=[pl.BlockSpec(x.shape, lambda: (0, 0))]
                 + [pl.BlockSpec(a.shape, lambda: (0, 0)) for a in head_ins],
        out_specs=pl.BlockSpec((B, 40), lambda: (0, 0)),
        out_shape=jax.ShapeDtypeStruct((B, 40), _F32),
    )(x, *head_ins)
    return out

# --- scband reference (transcript-rebuilt; emitter-appended) ---
"""Pipeline reference for scband-surface-net-3822520893767 (READ-ONLY COPY).

The authoritative reference and input builder live on the scoring server;
editing this copy changes nothing except your own understanding.
"""

import jax, jax.numpy as jnp
import numpy as np

POINT_NUM = [512, 128, 1]
K = 15
B, N = 64, 16384
MLPS = [(3, [64, 64, 128]), (131, [128, 128, 256]), (259, [256, 512, 1024])]


def _init_linear(key, fan_in, fan_out):
    k1, k2 = jax.random.split(key)
    s = 1.0 / np.sqrt(fan_in)
    W = jax.random.uniform(k1, (fan_in, fan_out), minval=-s, maxval=s, dtype=jnp.float32)
    b = jax.random.uniform(k2, (fan_out,), minval=-s, maxval=s, dtype=jnp.float32)
    return W, b


def setup_inputs(seed: int = 0):
    key = jax.random.key(seed)
    ks = jax.random.split(key, 40)
    total = sum(POINT_NUM)
    inp = {}
    inp['xyz'] = jax.random.normal(ks[0], (B, N, 3), dtype=jnp.float32)
    inp['local_coordinates'] = jax.random.normal(ks[1], (B, total * K, 3), dtype=jnp.float32)
    inp['neighbor_lists'] = jax.random.randint(ks[2], (B, total, K), 0, 128, dtype=jnp.int32)
    inp['data_idx_lists'] = jax.random.randint(ks[3], (B, total), 0, 128, dtype=jnp.int32)
    ki = 4
    for li, (cin, chs) in enumerate(MLPS):
        c = cin
        for j, co in enumerate(chs):
            W, b2 = _init_linear(ks[ki], c, co); ki += 1
            inp['sa%d_W%d' % (li + 1, j)] = W
            inp['sa%d_b%d' % (li + 1, j)] = b2
            c = co
    for name, (ci, co) in [('fc1', (1024, 512)), ('fc2', (512, 256)), ('fc3', (256, 40))]:
        W, b2 = _init_linear(ks[ki], ci, co); ki += 1
        inp[name + '_W'] = W
        inp[name + '_b'] = b2
    inp['bn1_g'] = jnp.ones((512,), dtype=jnp.float32)
    inp['bn1_b'] = jnp.zeros((512,), dtype=jnp.float32)
    inp['bn2_g'] = jnp.ones((256,), dtype=jnp.float32)
    inp['bn2_b'] = jnp.zeros((256,), dtype=jnp.float32)
    return inp


def _gather(p, idx):
    return jax.vmap(lambda a, i: a[i])(p, idx)


def _surface_conv(xyz, points, lc, nb, di, ws):
    if points is None:
        feat = lc
    else:
        grouped = _gather(points, nb)
        feat = jnp.concatenate([lc, grouped], axis=-1)
    for W, b in ws:
        feat = jax.nn.relu(feat @ W + b)
    new_points = jnp.max(feat, axis=2)
    new_xyz = _gather(xyz, di)
    return new_xyz, new_points


def _bn(x, g, b):
    m = jnp.mean(x, axis=0)
    v = jnp.var(x, axis=0)
    return (x - m) / jnp.sqrt(v + 1e-5) * g + b


def reference(xyz, local_coordinates, neighbor_lists, data_idx_lists,
              sa1_W0, sa1_b0, sa1_W1, sa1_b1, sa1_W2, sa1_b2,
              sa2_W0, sa2_b0, sa2_W1, sa2_b1, sa2_W2, sa2_b2,
              sa3_W0, sa3_b0, sa3_W1, sa3_b1, sa3_W2, sa3_b2,
              fc1_W, fc1_b, fc2_W, fc2_b, fc3_W, fc3_b,
              bn1_g, bn1_b, bn2_g, bn2_b):
    Bc = xyz.shape[0]
    sa_ws = [
        [(sa1_W0, sa1_b0), (sa1_W1, sa1_b1), (sa1_W2, sa1_b2)],
        [(sa2_W0, sa2_b0), (sa2_W1, sa2_b1), (sa2_W2, sa2_b2)],
        [(sa3_W0, sa3_b0), (sa3_W1, sa3_b1), (sa3_W2, sa3_b2)],
    ]
    cid = 0
    cur_xyz, cur_points = xyz, None
    for i, npnt in enumerate(POINT_NUM):
        lc = local_coordinates[:, cid * K:(cid + npnt) * K, :].reshape(Bc, npnt, K, 3)
        nb = neighbor_lists[:, cid:cid + npnt, :]
        di = data_idx_lists[:, cid:cid + npnt]
        cur_xyz, cur_points = _surface_conv(cur_xyz, cur_points, lc, nb, di, sa_ws[i])
        cid += npnt
    x = cur_points.reshape(Bc, 1024)
    x = jax.nn.relu(_bn(x @ fc1_W + fc1_b, bn1_g, bn1_b))
    x = jax.nn.relu(_bn(x @ fc2_W + fc2_b, bn2_g, bn2_b))
    x = x @ fc3_W + fc3_b
    return jax.nn.log_softmax(x, axis=-1)

if __name__ == "__main__":
    import jax
    _d = setup_inputs()
    print(jax.jit(kernel)(*tuple(_d.values())))

</pallas_src>

<mosaic_0001>
#map = affine_map<(d0, d1) -> (0, 0)>
#map1 = affine_map<(d0, d1) -> (0)>
module attributes {stable_mosaic.version = 14 : i64} {
  func.func @k(%arg0: i32, %arg1: i32, %arg2: memref<8192x128xf32, #tpu.memory_space<hbm>>, %arg3: memref<122880xi32, #tpu.memory_space<hbm>>, %arg4: memref<122880x128xf32, #tpu.memory_space<hbm>>, %arg5: memref<128xi32, #tpu.memory_space<vmem>>, %arg6: memref<128x128xf32, #tpu.memory_space<vmem>>, %arg7: memref<!tpu.dma_semaphore, #tpu.memory_space<semaphore_mem>>) attributes {dimension_semantics = [#tpu.dimension_semantics<core_parallel>, #tpu.dimension_semantics<subcore_parallel>], iteration_bounds = array<i64: 2, 16>, scalar_prefetch = 0 : i64, scratch_operands = 3 : i64, tpu.core_type = #tpu.core_type<sc_vector_subcore>, window_params = [{transform_indices = #map}, {transform_indices = #map1}, {transform_indices = #map}]} {
    %mul3A = arith.constant 2 : i32
    %mul3A_0 = arith.muli %arg1, %mul3A : i32
    %add3A = arith.addi %mul3A_0, %arg0 : i32
    %mul3A_1 = arith.constant 3840 : i32
    %mul3A_2 = arith.muli %add3A, %mul3A_1 : i32
    %scan3A = arith.constant 0 : i32
    %scan3A_3 = arith.constant 0 : i32
    %scan3A_4 = arith.constant 30 : i32
    %scan3A_5 = arith.addi %scan3A_3, %scan3A_4 : i32
    %scan3A_6 = arith.constant 1 : i32
    scf.for %scan3A_8 = %scan3A_3 to %scan3A_5 step %scan3A_6  : i32 {
      %mul3A_9 = arith.constant 128 : i32
      %mul3A_10 = arith.muli %scan3A_8, %mul3A_9 : i32
      %add3A_11 = arith.addi %mul3A_2, %mul3A_10 : i32
      "tpu.region"() ({
        %run_scoped3A = tpu.sem_alloc : memref<!tpu.dma_semaphore, #tpu.memory_space<semaphore_mem>>
        %dma_start3A_16 = tpu.memref_slice %arg3[%add3A_11] : memref<122880xi32, #tpu.memory_space<hbm>> -> memref<128xi32, #tpu.memory_space<hbm>>
        %dma_start3A_17 = tpu.memref_slice %arg3[%add3A_11] : memref<122880xi32, #tpu.memory_space<hbm>> -> memref<128xi32, #tpu.memory_space<hbm>>
        tpu.enqueue_dma source(%dma_start3A_17 : memref<128xi32, #tpu.memory_space<hbm>>) target(%arg5 : memref<128xi32, #tpu.memory_space<vmem>>) target_semaphore(%run_scoped3A : memref<!tpu.dma_semaphore, #tpu.memory_space<semaphore_mem>>)
        %dma_wait3A_18 = tpu.memref_slice %arg3[%add3A_11] : memref<122880xi32, #tpu.memory_space<hbm>> -> memref<128xi32, #tpu.memory_space<hbm>>
        %dma_wait3A_19 = tpu.memref_slice %arg3[%add3A_11] : memref<122880xi32, #tpu.memory_space<hbm>> -> memref<128xi32, #tpu.memory_space<hbm>>
        tpu.wait_dma2 semaphore(%run_scoped3A : memref<!tpu.dma_semaphore, #tpu.memory_space<semaphore_mem>>) src(%dma_wait3A_19 : memref<128xi32, #tpu.memory_space<hbm>>) dst(%arg5 : memref<128xi32, #tpu.memory_space<vmem>>)
        tpu.yield
      }) : () -> ()
      %dma_start3A = arith.constant 0 : i32
      %dma_start3A_12 = arith.constant 0 : i32
      %dma_start3A_13 = tpu.memref_slice %arg2[%dma_start3A, %dma_start3A_12] : memref<8192x128xf32, #tpu.memory_space<hbm>> -> memref<8192x128xf32, #tpu.memory_space<hbm>>
      tpu.enqueue_indirect_dma source(%dma_start3A_13 : memref<8192x128xf32, #tpu.memory_space<hbm>>) target(%arg6 : memref<128x128xf32, #tpu.memory_space<vmem>>) offsets(%arg5 : memref<128xi32, #tpu.memory_space<vmem>>) semaphore(%arg7 : memref<!tpu.dma_semaphore, #tpu.memory_space<semaphore_mem>>)
      %dma_wait3A = arith.constant 0 : i32
      %dma_wait3A_14 = arith.constant 0 : i32
      %dma_wait3A_15 = tpu.memref_slice %arg2[%dma_wait3A, %dma_wait3A_14] : memref<8192x128xf32, #tpu.memory_space<hbm>> -> memref<8192x128xf32, #tpu.memory_space<hbm>>
      tpu.wait_indirect_dma semaphore(%arg7 : memref<!tpu.dma_semaphore, #tpu.memory_space<semaphore_mem>>) src(%dma_wait3A_15 : memref<8192x128xf32, #tpu.memory_space<hbm>>) dst(%arg6 : memref<128x128xf32, #tpu.memory_space<vmem>>)
      "tpu.region"() ({
        %run_scoped3A = tpu.sem_alloc : memref<!tpu.dma_semaphore, #tpu.memory_space<semaphore_mem>>
        %dma_start3A_16 = arith.constant 0 : i32
        %dma_start3A_17 = tpu.memref_slice %arg4[%add3A_11, %dma_start3A_16] : memref<122880x128xf32, #tpu.memory_space<hbm>> -> memref<128x128xf32, #tpu.memory_space<hbm>>
        %dma_start3A_18 = arith.constant 0 : i32
        %dma_start3A_19 = tpu.memref_slice %arg4[%add3A_11, %dma_start3A_18] : memref<122880x128xf32, #tpu.memory_space<hbm>> -> memref<128x128xf32, #tpu.memory_space<hbm>>
        tpu.enqueue_dma source(%arg6 : memref<128x128xf32, #tpu.memory_space<vmem>>) target(%dma_start3A_19 : memref<128x128xf32, #tpu.memory_space<hbm>>) target_semaphore(%run_scoped3A : memref<!tpu.dma_semaphore, #tpu.memory_space<semaphore_mem>>)
        %dma_wait3A_20 = arith.constant 0 : i32
        %dma_wait3A_21 = tpu.memref_slice %arg4[%add3A_11, %dma_wait3A_20] : memref<122880x128xf32, #tpu.memory_space<hbm>> -> memref<128x128xf32, #tpu.memory_space<hbm>>
        %dma_wait3A_22 = arith.constant 0 : i32
        %dma_wait3A_23 = tpu.memref_slice %arg4[%add3A_11, %dma_wait3A_22] : memref<122880x128xf32, #tpu.memory_space<hbm>> -> memref<128x128xf32, #tpu.memory_space<hbm>>
        tpu.wait_dma2 semaphore(%run_scoped3A : memref<!tpu.dma_semaphore, #tpu.memory_space<semaphore_mem>>) src(%arg6 : memref<128x128xf32, #tpu.memory_space<vmem>>) dst(%dma_wait3A_23 : memref<128x128xf32, #tpu.memory_space<hbm>>)
        tpu.yield
      }) : () -> ()
    }
    %scan3A_7 = arith.constant 30 : i32
    return
  }
}

module attributes {stable_mosaic.version = 14 : i64} {
  func.func @_stage1_kernel(%arg0: i32, %arg1: memref<1x128x45xf32, #tpu.memory_space<vmem>>, %arg2: memref<45x960xf32, #tpu.memory_space<vmem>>, %arg3: memref<1x64xf32, #tpu.memory_space<vmem>>, %arg4: memref<64x64xf32, #tpu.memory_space<vmem>>, %arg5: memref<1x64xf32, #tpu.memory_space<vmem>>, %arg6: memref<64x128xf32, #tpu.memory_space<vmem>>, %arg7: memref<1x128xf32, #tpu.memory_space<vmem>>, %arg8: memref<128x128xf32, #tpu.memory_space<vmem>>, %arg9: memref<1x128x128xf32, #tpu.memory_space<vmem>>) attributes {dimension_semantics = [#tpu.dimension_semantics<arbitrary>], iteration_bounds = array<i64: 64>, scalar_prefetch = 0 : i64, scratch_operands = 0 : i64, tpu.core_type = #tpu.core_type<tc>, window_params = [{transform_indices = @transform_0, window_bounds = array<i64: 1, 128, 45>}, {pipeline_mode = #tpu.pipeline_mode<synchronous>, transform_indices = @transform_1, window_bounds = array<i64: 45, 960>}, {pipeline_mode = #tpu.pipeline_mode<synchronous>, transform_indices = @transform_2, window_bounds = array<i64: 1, 64>}, {pipeline_mode = #tpu.pipeline_mode<synchronous>, transform_indices = @transform_3, window_bounds = array<i64: 64, 64>}, {pipeline_mode = #tpu.pipeline_mode<synchronous>, transform_indices = @transform_4, window_bounds = array<i64: 1, 64>}, {pipeline_mode = #tpu.pipeline_mode<synchronous>, transform_indices = @transform_5, window_bounds = array<i64: 64, 128>}, {pipeline_mode = #tpu.pipeline_mode<synchronous>, transform_indices = @transform_6, window_bounds = array<i64: 1, 128>}, {pipeline_mode = #tpu.pipeline_mode<synchronous>, transform_indices = @transform_7, window_bounds = array<i64: 128, 128>}, {transform_indices = @transform_8, window_bounds = array<i64: 1, 128, 128>}]} {
    %get3A = arith.constant 0 : index
    %get3A_0 = arith.constant 0 : index
    %get3A_1 = arith.constant 0 : index
    %get3A_2 = vector.load %arg1[%get3A, %get3A_0, %get3A_1] : memref<1x128x45xf32, #tpu.memory_space<vmem>>, vector<1x128x45xf32>
    %get3A_3 = vector.shape_cast %get3A_2 : vector<1x128x45xf32> to vector<128x45xf32>
    %get3A_4 = arith.constant 0 : index
    %get3A_5 = arith.constant 0 : index
    %get3A_6 = vector.load %arg2[%get3A_4, %get3A_5] : memref<45x960xf32, #tpu.memory_space<vmem>>, vector<45x960xf32>
    %dot_general3A = arith.constant dense<0.000000e+00> : vector<128x960xf32>
    %dot_general3A_7 = tpu.matmul %get3A_3, %get3A_6, %dot_general3A {dimension_numbers = #tpu.dot_dimension_numbers<[1], [0], [0], [1], [0, 0, 1, 1], [], []>, transpose_lhs_hint = false} : vector<128x45xf32>, vector<45x960xf32>, vector<128x960xf32> -> vector<128x960xf32>
    %slice3A = vector.extract_strided_slice %dot_general3A_7 {offsets = [0, 0], sizes = [128, 64], strides = [1, 1]} : vector<128x960xf32> to vector<128x64xf32>
    %slice3A_8 = vector.extract_strided_slice %dot_general3A_7 {offsets = [0, 64], sizes = [128, 64], strides = [1, 1]} : vector<128x960xf32> to vector<128x64xf32>
    %slice3A_9 = vector.extract_strided_slice %dot_general3A_7 {offsets = [0, 128], sizes = [128, 64], strides = [1, 1]} : vector<128x960xf32> to vector<128x64xf32>
    %slice3A_10 = vector.extract_strided_slice %dot_general3A_7 {offsets = [0, 192], sizes = [128, 64], strides = [1, 1]} : vector<128x960xf32> to vector<128x64xf32>
    %slice3A_11 = vector.extract_strided_slice %dot_general3A_7 {offsets = [0, 256], sizes = [128, 64], strides = [1, 1]} : vector<128x960xf32> to vector<128x64xf32>
    %slice3A_12 = vector.extract_strided_slice %dot_general3A_7 {offsets = [0, 320], sizes = [128, 64], strides = [1, 1]} : vector<128x960xf32> to vector<128x64xf32>
    %slice3A_13 = vector.extract_strided_slice %dot_general3A_7 {offsets = [0, 384], sizes = [128, 64], strides = [1, 1]} : vector<128x960xf32> to vector<128x64xf32>
    %slice3A_14 = vector.extract_strided_slice %dot_general3A_7 {offsets = [0, 448], sizes = [128, 64], strides = [1, 1]} : vector<128x960xf32> to vector<128x64xf32>
    %slice3A_15 = vector.extract_strided_slice %dot_general3A_7 {offsets = [0, 512], sizes = [128, 64], strides = [1, 1]} : vector<128x960xf32> to vector<128x64xf32>
    %slice3A_16 = vector.extract_strided_slice %dot_general3A_7 {offsets = [0, 576], sizes = [128, 64], strides = [1, 1]} : vector<128x960xf32> to vector<128x64xf32>
    %slice3A_17 = vector.extract_strided_slice %dot_general3A_7 {offsets = [0, 640], sizes = [128, 64], strides = [1, 1]} : vector<128x960xf32> to vector<128x64xf32>
    %slice3A_18 = vector.extract_strided_slice %dot_general3A_7 {offsets = [0, 704], sizes = [128, 64], strides = [1, 1]} : vector<128x960xf32> to vector<128x64xf32>
    %slice3A_19 = vector.extract_strided_slice %dot_general3A_7 {offsets = [0, 768], sizes = [128, 64], strides = [1, 1]} : vector<128x960xf32> to vector<128x64xf32>
    %slice3A_20 = vector.extract_strided_slice %dot_general3A_7 {offsets = [0, 832], sizes = [128, 64], strides = [1, 1]} : vector<128x960xf32> to vector<128x64xf32>
    %slice3A_21 = vector.extract_strided_slice %dot_general3A_7 {offsets = [0, 896], sizes = [128, 64], strides = [1, 1]} : vector<128x960xf32> to vector<128x64xf32>
    %concatenate3A = tpu.concatenate %slice3A, %slice3A_8, %slice3A_9, %slice3A_10, %slice3A_11, %slice3A_12, %slice3A_13, %slice3A_14, %slice3A_15, %slice3A_16, %slice3A_17, %slice3A_18, %slice3A_19, %slice3A_20, %slice3A_21 in 0 : vector<128x64xf32>, vector<128x64xf32>, vector<128x64xf32>, vector<128x64xf32>, vector<128x64xf32>, vector<128x64xf32>, vector<128x64xf32>, vector<128x64xf32>, vector<128x64xf32>, vector<128x64xf32>, vector<128x64xf32>, vector<128x64xf32>, vector<128x64xf32>, vector<128x64xf32>, vector<128x64xf32> -> vector<1920x64xf32>
    %get3A_22 = arith.constant 0 : index
    %get3A_23 = arith.constant 0 : index
    %get3A_24 = vector.load %arg3[%get3A_22, %get3A_23] : memref<1x64xf32, #tpu.memory_space<vmem>>, vector<1x64xf32>
    %add3A = vector.broadcast %get3A_24 : vector<1x64xf32> to vector<1920x64xf32>
    %add3A_25 = arith.addf %concatenate3A, %add3A : vector<1920x64xf32>
    %max3A = arith.constant 0.000000e+00 : f32
    %max3A_26 = vector.broadcast %max3A : f32 to vector<1920x64xf32>
    %max3A_27 = arith.maximumf %add3A_25, %max3A_26 : vector<1920x64xf32>
    %get3A_28 = arith.constant 0 : index
    %get3A_29 = arith.constant 0 : index
    %get3A_30 = vector.load %arg4[%get3A_28, %get3A_29] : memref<64x64xf32, #tpu.memory_space<vmem>>, vector<64x64xf32>
    %dot_general3A_31 = arith.constant dense<0.000000e+00> : vector<1920x64xf32>
    %dot_general3A_32 = tpu.matmul %max3A_27, %get3A_30, %dot_general3A_31 {dimension_numbers = #tpu.dot_dimension_numbers<[1], [0], [0], [1], [0, 0, 1, 1], [], []>, transpose_lhs_hint = false} : vector<1920x64xf32>, vector<64x64xf32>, vector<1920x64xf32> -> vector<1920x64xf32>
    %get3A_33 = arith.constant 0 : index
    %get3A_34 = arith.constant 0 : index
    %get3A_35 = vector.load %arg5[%get3A_33, %get3A_34] : memref<1x64xf32, #tpu.memory_space<vmem>>, vector<1x64xf32>
    %add3A_36 = vector.broadcast %get3A_35 : vector<1x64xf32> to vector<1920x64xf32>
    %add3A_37 = arith.addf %dot_general3A_32, %add3A_36 : vector<1920x64xf32>
    %max3A_38 = arith.constant 0.000000e+00 : f32
    %max3A_39 = vector.broadcast %max3A_38 : f32 to vector<1920x64xf32>
    %max3A_40 = arith.maximumf %add3A_37, %max3A_39 : vector<1920x64xf32>
    %get3A_41 = arith.constant 0 : index
    %get3A_42 = arith.constant 0 : index
    %get3A_43 = vector.load %arg6[%get3A_41, %get3A_42] : memref<64x128xf32, #tpu.memory_space<vmem>>, vector<64x128xf32>
    %dot_general3A_44 = arith.constant dense<0.000000e+00> : vector<1920x128xf32>
    %dot_general3A_45 = tpu.matmul %max3A_40, %get3A_43, %dot_general3A_44 {dimension_numbers = #tpu.dot_dimension_numbers<[1], [0], [0], [1], [0, 0, 1, 1], [], []>, transpose_lhs_hint = false} : vector<1920x64xf32>, vector<64x128xf32>, vector<1920x128xf32> -> vector<1920x128xf32>
    %get3A_46 = arith.constant 0 : index
    %get3A_47 = arith.constant 0 : index
    %get3A_48 = vector.load %arg7[%get3A_46, %get3A_47] : memref<1x128xf32, #tpu.memory_space<vmem>>, vector<1x128xf32>
    %add3A_49 = vector.broadcast %get3A_48 : vector<1x128xf32> to vector<1920x128xf32>
    %add3A_50 = arith.addf %dot_general3A_45, %add3A_49 : vector<1920x128xf32>
    %max3A_51 = arith.constant 0.000000e+00 : f32
    %max3A_52 = vector.broadcast %max3A_51 : f32 to vector<1920x128xf32>
    %max3A_53 = arith.maximumf %add3A_50, %max3A_52 : vector<1920x128xf32>
    %reshape3A = vector.shape_cast %max3A_53 : vector<1920x128xf32> to vector<15x128x128xf32>
    %reduce_max3A = arith.constant dense<0xFF800000> : vector<128x128xf32>
    %reduce_max3A_54 = vector.multi_reduction <maximumf>, %reshape3A, %reduce_max3A [0] : vector<15x128x128xf32> to vector<128x128xf32>
    %get3A_55 = arith.constant 0 : index
    %get3A_56 = arith.constant 0 : index
    %get3A_57 = vector.load %arg8[%get3A_55, %get3A_56] : memref<128x128xf32, #tpu.memory_space<vmem>>, vector<128x128xf32>
    %dot_general3A_58 = arith.constant dense<0.000000e+00> : vector<128x128xf32>
    %dot_general3A_59 = tpu.matmul %reduce_max3A_54, %get3A_57, %dot_general3A_58 {dimension_numbers = #tpu.dot_dimension_numbers<[1], [0], [0], [1], [0, 0, 1, 1], [], []>, transpose_lhs_hint = false} : vector<128x128xf32>, vector<128x128xf32>, vector<128x128xf32> -> vector<128x128xf32>
    %swap3A = arith.constant 0 : index
    %swap3A_60 = arith.constant 0 : index
    %swap3A_61 = arith.constant 0 : index
    %swap3A_62 = vector.load %arg9[%swap3A, %swap3A_60, %swap3A_61] : memref<1x128x128xf32, #tpu.memory_space<vmem>>, vector<1x128x128xf32>
    %swap3A_63 = vector.shape_cast %swap3A_62 : vector<1x128x128xf32> to vector<128x128xf32>
    %swap3A_64 = vector.shape_cast %dot_general3A_59 : vector<128x128xf32> to vector<1x128x128xf32>
    tpu.vector_store %arg9[%swap3A, %swap3A_60, %swap3A_61], %swap3A_64 {strides = array<i32>} : memref<1x128x128xf32, #tpu.memory_space<vmem>>, vector<1x128x128xf32>,
    return
  }
  func.func @transform_0(%arg0: i32) -> (i32, i32, i32) {
    %c0_i32 = arith.constant 0 : i32
    %c0_i32_0 = arith.constant 0 : i32
    %c0_i32_1 = arith.constant 0 : i32
    return %arg0, %c0_i32, %c0_i32_0 : i32, i32, i32
  }
  func.func @transform_1(%arg0: i32) -> (i32, i32) {
    %c0_i32 = arith.constant 0 : i32
    %c0_i32_0 = arith.constant 0 : i32
    %c0_i32_1 = arith.constant 0 : i32
    return %c0_i32, %c0_i32_0 : i32, i32
  }
  func.func @transform_2(%arg0: i32) -> (i32, i32) {
    %c0_i32 = arith.constant 0 : i32
    %c0_i32_0 = arith.constant 0 : i32
    %c0_i32_1 = arith.constant 0 : i32
    return %c0_i32, %c0_i32_0 : i32, i32
  }
  func.func @transform_3(%arg0: i32) -> (i32, i32) {
    %c0_i32 = arith.constant 0 : i32
    %c0_i32_0 = arith.constant 0 : i32
    %c0_i32_1 = arith.constant 0 : i32
    return %c0_i32, %c0_i32_0 : i32, i32
  }
  func.func @transform_4(%arg0: i32) -> (i32, i32) {
    %c0_i32 = arith.constant 0 : i32
    %c0_i32_0 = arith.constant 0 : i32
    %c0_i32_1 = arith.constant 0 : i32
    return %c0_i32, %c0_i32_0 : i32, i32
  }
  func.func @transform_5(%arg0: i32) -> (i32, i32) {
    %c0_i32 = arith.constant 0 : i32
    %c0_i32_0 = arith.constant 0 : i32
    %c0_i32_1 = arith.constant 0 : i32
    return %c0_i32, %c0_i32_0 : i32, i32
  }
  func.func @transform_6(%arg0: i32) -> (i32, i32) {
    %c0_i32 = arith.constant 0 : i32
    %c0_i32_0 = arith.constant 0 : i32
    %c0_i32_1 = arith.constant 0 : i32
    return %c0_i32, %c0_i32_0 : i32, i32
  }
  func.func @transform_7(%arg0: i32) -> (i32, i32) {
    %c0_i32 = arith.constant 0 : i32
    %c0_i32_0 = arith.constant 0 : i32
    %c0_i32_1 = arith.constant 0 : i32
    return %c0_i32, %c0_i32_0 : i32, i32
  }
  func.func @transform_8(%arg0: i32) -> (i32, i32, i32) {
    %c0_i32 = arith.constant 0 : i32
    %c0_i32_0 = arith.constant 0 : i32
    %c0_i32_1 = arith.constant 0 : i32
    return %arg0, %c0_i32, %c0_i32_0 : i32, i32, i32
  }
}

module attributes {stable_mosaic.version = 14 : i64} {
  func.func @_stage23_kernel(%arg0: i32, %arg1: memref<1x1920x128xf32, #tpu.memory_space<vmem>>, %arg2: memref<1x128x45xf32, #tpu.memory_space<vmem>>, %arg3: memref<1x1x45xf32, #tpu.memory_space<vmem>>, %arg4: memref<1x1x15xi32, #tpu.memory_space<vmem>>, %arg5: memref<45x1920xf32, #tpu.memory_space<vmem>>, %arg6: memref<1x128xf32, #tpu.memory_space<vmem>>, %arg7: memref<128x128xf32, #tpu.memory_space<vmem>>, %arg8: memref<1x128xf32, #tpu.memory_space<vmem>>, %arg9: memref<128x256xf32, #tpu.memory_space<vmem>>, %arg10: memref<1x256xf32, #tpu.memory_space<vmem>>, %arg11: memref<45x3840xf32, #tpu.memory_space<vmem>>, %arg12: memref<256x256xf32, #tpu.memory_space<vmem>>, %arg13: memref<1x256xf32, #tpu.memory_space<vmem>>, %arg14: memref<256x512xf32, #tpu.memory_space<vmem>>, %arg15: memref<1x512xf32, #tpu.memory_space<vmem>>, %arg16: memref<512x1024xf32, #tpu.memory_space<vmem>>, %arg17: memref<1x1024xf32, #tpu.memory_space<vmem>>, %arg18: memref<1x1x1024xf32, #tpu.memory_space<vmem>>) attributes {dimension_semantics = [#tpu.dimension_semantics<arbitrary>], iteration_bounds = array<i64: 64>, scalar_prefetch = 0 : i64, scratch_operands = 0 : i64, tpu.core_type = #tpu.core_type<tc>, window_params = [{transform_indices = @transform_0, window_bounds = array<i64: 1, 1920, 128>}, {transform_indices = @transform_1, window_bounds = array<i64: 1, 128, 45>}, {transform_indices = @transform_2, window_bounds = array<i64: 1, 1, 45>}, {transform_indices = @transform_3, window_bounds = array<i64: 1, 1, 15>}, {pipeline_mode = #tpu.pipeline_mode<synchronous>, transform_indices = @transform_4, window_bounds = array<i64: 45, 1920>}, {pipeline_mode = #tpu.pipeline_mode<synchronous>, transform_indices = @transform_5, window_bounds = array<i64: 1, 128>}, {pipeline_mode = #tpu.pipeline_mode<synchronous>, transform_indices = @transform_6, window_bounds = array<i64: 128, 128>}, {pipeline_mode = #tpu.pipeline_mode<synchronous>, transform_indices = @transform_7, window_bounds = array<i64: 1, 128>}, {pipeline_mode = #tpu.pipeline_mode<synchronous>, transform_indices = @transform_8, window_bounds = array<i64: 128, 256>}, {pipeline_mode = #tpu.pipeline_mode<synchronous>, transform_indices = @transform_9, window_bounds = array<i64: 1, 256>}, {pipeline_mode = #tpu.pipeline_mode<synchronous>, transform_indices = @transform_10, window_bounds = array<i64: 45, 3840>}, {pipeline_mode = #tpu.pipeline_mode<synchronous>, transform_indices = @transform_11, window_bounds = array<i64: 256, 256>}, {pipeline_mode = #tpu.pipeline_mode<synchronous>, transform_indices = @transform_12, window_bounds = array<i64: 1, 256>}, {pipeline_mode = #tpu.pipeline_mode<synchronous>, transform_indices = @transform_13, window_bounds = array<i64: 256, 512>}, {pipeline_mode = #tpu.pipeline_mode<synchronous>, transform_indices = @transform_14, window_bounds = array<i64: 1, 512>}, {pipeline_mode = #tpu.pipeline_mode<synchronous>, transform_indices = @transform_15, window_bounds = array<i64: 512, 1024>}, {pipeline_mode = #tpu.pipeline_mode<synchronous>, transform_indices = @transform_16, window_bounds = array<i64: 1, 1024>}, {transform_indices = @transform_17, window_bounds = array<i64: 1, 1, 1024>}]} {
    %get3A = arith.constant 0 : index
    %get3A_0 = arith.constant 0 : index
    %get3A_1 = arith.constant 0 : index
    %get3A_2 = vector.load %arg2[%get3A, %get3A_0, %get3A_1] : memref<1x128x45xf32, #tpu.memory_space<vmem>>, vector<1x128x45xf32>
    %get3A_3 = vector.shape_cast %get3A_2 : vector<1x128x45xf32> to vector<128x45xf32>
    %get3A_4 = arith.constant 0 : index
    %get3A_5 = arith.constant 0 : index
    %get3A_6 = vector.load %arg5[%get3A_4, %get3A_5] : memref<45x1920xf32, #tpu.memory_space<vmem>>, vector<45x1920xf32>
    %dot_general3A = arith.constant dense<0.000000e+00> : vector<128x1920xf32>
    %dot_general3A_7 = tpu.matmul %get3A_3, %get3A_6, %dot_general3A {dimension_numbers = #tpu.dot_dimension_numbers<[1], [0], [0], [1], [0, 0, 1, 1], [], []>, transpose_lhs_hint = false} : vector<128x45xf32>, vector<45x1920xf32>, vector<128x1920xf32> -> vector<128x1920xf32>
    %slice3A = vector.extract_strided_slice %dot_general3A_7 {offsets = [0, 0], sizes = [128, 128], strides = [1, 1]} : vector<128x1920xf32> to vector<128x128xf32>
    %slice3A_8 = vector.extract_strided_slice %dot_general3A_7 {offsets = [0, 128], sizes = [128, 128], strides = [1, 1]} : vector<128x1920xf32> to vector<128x128xf32>
    %slice3A_9 = vector.extract_strided_slice %dot_general3A_7 {offsets = [0, 256], sizes = [128, 128], strides = [1, 1]} : vector<128x1920xf32> to vector<128x128xf32>
    %slice3A_10 = vector.extract_strided_slice %dot_general3A_7 {offsets = [0, 384], sizes = [128, 128], strides = [1, 1]} : vector<128x1920xf32> to vector<128x128xf32>
    %slice3A_11 = vector.extract_strided_slice %dot_general3A_7 {offsets = [0, 512], sizes = [128, 128], strides = [1, 1]} : vector<128x1920xf32> to vector<128x128xf32>
    %slice3A_12 = vector.extract_strided_slice %dot_general3A_7 {offsets = [0, 640], sizes = [128, 128], strides = [1, 1]} : vector<128x1920xf32> to vector<128x128xf32>
    %slice3A_13 = vector.extract_strided_slice %dot_general3A_7 {offsets = [0, 768], sizes = [128, 128], strides = [1, 1]} : vector<128x1920xf32> to vector<128x128xf32>
    %slice3A_14 = vector.extract_strided_slice %dot_general3A_7 {offsets = [0, 896], sizes = [128, 128], strides = [1, 1]} : vector<128x1920xf32> to vector<128x128xf32>
    %slice3A_15 = vector.extract_strided_slice %dot_general3A_7 {offsets = [0, 1024], sizes = [128, 128], strides = [1, 1]} : vector<128x1920xf32> to vector<128x128xf32>
    %slice3A_16 = vector.extract_strided_slice %dot_general3A_7 {offsets = [0, 1152], sizes = [128, 128], strides = [1, 1]} : vector<128x1920xf32> to vector<128x128xf32>
    %slice3A_17 = vector.extract_strided_slice %dot_general3A_7 {offsets = [0, 1280], sizes = [128, 128], strides = [1, 1]} : vector<128x1920xf32> to vector<128x128xf32>
    %slice3A_18 = vector.extract_strided_slice %dot_general3A_7 {offsets = [0, 1408], sizes = [128, 128], strides = [1, 1]} : vector<128x1920xf32> to vector<128x128xf32>
    %slice3A_19 = vector.extract_strided_slice %dot_general3A_7 {offsets = [0, 1536], sizes = [128, 128], strides = [1, 1]} : vector<128x1920xf32> to vector<128x128xf32>
    %slice3A_20 = vector.extract_strided_slice %dot_general3A_7 {offsets = [0, 1664], sizes = [128, 128], strides = [1, 1]} : vector<128x1920xf32> to vector<128x128xf32>
    %slice3A_21 = vector.extract_strided_slice %dot_general3A_7 {offsets = [0, 1792], sizes = [128, 128], strides = [1, 1]} : vector<128x1920xf32> to vector<128x128xf32>
    %concatenate3A = tpu.concatenate %slice3A, %slice3A_8, %slice3A_9, %slice3A_10, %slice3A_11, %slice3A_12, %slice3A_13, %slice3A_14, %slice3A_15, %slice3A_16, %slice3A_17, %slice3A_18, %slice3A_19, %slice3A_20, %slice3A_21 in 0 : vector<128x128xf32>, vector<128x128xf32>, vector<128x128xf32>, vector<128x128xf32>, vector<128x128xf32>, vector<128x128xf32>, vector<128x128xf32>, vector<128x128xf32>, vector<128x128xf32>, vector<128x128xf32>, vector<128x128xf32>, vector<128x128xf32>, vector<128x128xf32>, vector<128x128xf32>, vector<128x128xf32> -> vector<1920x128xf32>
    %get3A_22 = arith.constant 0 : index
    %get3A_23 = arith.constant 0 : index
    %get3A_24 = arith.constant 0 : index
    %get3A_25 = vector.load %arg1[%get3A_22, %get3A_23, %get3A_24] : memref<1x1920x128xf32, #tpu.memory_space<vmem>>, vector<1x1920x128xf32>
    %get3A_26 = vector.shape_cast %get3A_25 : vector<1x1920x128xf32> to vector<1920x128xf32>
    %add3A = arith.addf %concatenate3A, %get3A_26 : vector<1920x128xf32>
    %get3A_27 = arith.constant 0 : index
    %get3A_28 = arith.constant 0 : index
    %get3A_29 = vector.load %arg6[%get3A_27, %get3A_28] : memref<1x128xf32, #tpu.memory_space<vmem>>, vector<1x128xf32>
    %add3A_30 = vector.broadcast %get3A_29 : vector<1x128xf32> to vector<1920x128xf32>
    %add3A_31 = arith.addf %add3A, %add3A_30 : vector<1920x128xf32>
    %max3A = arith.constant 0.000000e+00 : f32
    %max3A_32 = vector.broadcast %max3A : f32 to vector<1920x128xf32>
    %max3A_33 = arith.maximumf %add3A_31, %max3A_32 : vector<1920x128xf32>
    %get3A_34 = arith.constant 0 : index
    %get3A_35 = arith.constant 0 : index
    %get3A_36 = vector.load %arg7[%get3A_34, %get3A_35] : memref<128x128xf32, #tpu.memory_space<vmem>>, vector<128x128xf32>
    %dot_general3A_37 = arith.constant dense<0.000000e+00> : vector<1920x128xf32>
    %dot_general3A_38 = tpu.matmul %max3A_33, %get3A_36, %dot_general3A_37 {dimension_numbers = #tpu.dot_dimension_numbers<[1], [0], [0], [1], [0, 0, 1, 1], [], []>, transpose_lhs_hint = false} : vector<1920x128xf32>, vector<128x128xf32>, vector<1920x128xf32> -> vector<1920x128xf32>
    %get3A_39 = arith.constant 0 : index
    %get3A_40 = arith.constant 0 : index
    %get3A_41 = vector.load %arg8[%get3A_39, %get3A_40] : memref<1x128xf32, #tpu.memory_space<vmem>>, vector<1x128xf32>
    %add3A_42 = vector.broadcast %get3A_41 : vector<1x128xf32> to vector<1920x128xf32>
    %add3A_43 = arith.addf %dot_general3A_38, %add3A_42 : vector<1920x128xf32>
    %max3A_44 = arith.constant 0.000000e+00 : f32
    %max3A_45 = vector.broadcast %max3A_44 : f32 to vector<1920x128xf32>
    %max3A_46 = arith.maximumf %add3A_43, %max3A_45 : vector<1920x128xf32>
    %get3A_47 = arith.constant 0 : index
    %get3A_48 = arith.constant 0 : index
    %get3A_49 = vector.load %arg9[%get3A_47, %get3A_48] : memref<128x256xf32, #tpu.memory_space<vmem>>, vector<128x256xf32>
    %dot_general3A_50 = arith.constant dense<0.000000e+00> : vector<1920x256xf32>
    %dot_general3A_51 = tpu.matmul %max3A_46, %get3A_49, %dot_general3A_50 {dimension_numbers = #tpu.dot_dimension_numbers<[1], [0], [0], [1], [0, 0, 1, 1], [], []>, transpose_lhs_hint = false} : vector<1920x128xf32>, vector<128x256xf32>, vector<1920x256xf32> -> vector<1920x256xf32>
    %get3A_52 = arith.constant 0 : index
    %get3A_53 = arith.constant 0 : index
    %get3A_54 = vector.load %arg10[%get3A_52, %get3A_53] : memref<1x256xf32, #tpu.memory_space<vmem>>, vector<1x256xf32>
    %add3A_55 = vector.broadcast %get3A_54 : vector<1x256xf32> to vector<1920x256xf32>
    %add3A_56 = arith.addf %dot_general3A_51, %add3A_55 : vector<1920x256xf32>
    %max3A_57 = arith.constant 0.000000e+00 : f32
    %max3A_58 = vector.broadcast %max3A_57 : f32 to vector<1920x256xf32>
    %max3A_59 = arith.maximumf %add3A_56, %max3A_58 : vector<1920x256xf32>
    %reshape3A = vector.shape_cast %max3A_59 : vector<1920x256xf32> to vector<15x128x256xf32>
    %reduce_max3A = arith.constant dense<0xFF800000> : vector<128x256xf32>
    %reduce_max3A_60 = vector.multi_reduction <maximumf>, %reshape3A, %reduce_max3A [0] : vector<15x128x256xf32> to vector<128x256xf32>
    %get3A_61 = arith.constant 0 : index
    %get3A_62 = arith.constant 0 : index
    %get3A_63 = arith.constant 0 : index
    %get3A_64 = vector.load %arg4[%get3A_61, %get3A_62, %get3A_63] : memref<1x1x15xi32, #tpu.memory_space<vmem>>, vector<1x1x15xi32>
    %get3A_65 = vector.shape_cast %get3A_64 : vector<1x1x15xi32> to vector<1x15xi32>
    %iota3A = tpu.iota {dimensions = array<i32: 1>} : vector<1x128xi32>
    %slice3A_66 = vector.extract_strided_slice %get3A_65 {offsets = [0, 0], sizes = [1, 1], strides = [1, 1]} : vector<1x15xi32> to vector<1x1xi32>
    %eq3A = vector.broadcast %slice3A_66 : vector<1x1xi32> to vector<1x128xi32>
    %eq3A_67 = arith.cmpi eq, %eq3A, %iota3A : vector<1x128xi32>
    %convert_element_type3A = arith.extui %eq3A_67 : vector<1x128xi1> to vector<1x128xi32>
    %convert_element_type3A_68 = arith.sitofp %convert_element_type3A : vector<1x128xi32> to vector<1x128xf32>
    %slice3A_69 = vector.extract_strided_slice %get3A_65 {offsets = [0, 1], sizes = [1, 1], strides = [1, 1]} : vector<1x15xi32> to vector<1x1xi32>
    %eq3A_70 = vector.broadcast %slice3A_69 : vector<1x1xi32> to vector<1x128xi32>
    %eq3A_71 = arith.cmpi eq, %eq3A_70, %iota3A : vector<1x128xi32>
    %convert_element_type3A_72 = arith.extui %eq3A_71 : vector<1x128xi1> to vector<1x128xi32>
    %convert_element_type3A_73 = arith.sitofp %convert_element_type3A_72 : vector<1x128xi32> to vector<1x128xf32>
    %slice3A_74 = vector.extract_strided_slice %get3A_65 {offsets = [0, 2], sizes = [1, 1], strides = [1, 1]} : vector<1x15xi32> to vector<1x1xi32>
    %eq3A_75 = vector.broadcast %slice3A_74 : vector<1x1xi32> to vector<1x128xi32>
    %eq3A_76 = arith.cmpi eq, %eq3A_75, %iota3A : vector<1x128xi32>
    %convert_element_type3A_77 = arith.extui %eq3A_76 : vector<1x128xi1> to vector<1x128xi32>
    %convert_element_type3A_78 = arith.sitofp %convert_element_type3A_77 : vector<1x128xi32> to vector<1x128xf32>
    %slice3A_79 = vector.extract_strided_slice %get3A_65 {offsets = [0, 3], sizes = [1, 1], strides = [1, 1]} : vector<1x15xi32> to vector<1x1xi32>
    %eq3A_80 = vector.broadcast %slice3A_79 : vector<1x1xi32> to vector<1x128xi32>
    %eq3A_81 = arith.cmpi eq, %eq3A_80, %iota3A : vector<1x128xi32>
    %convert_element_type3A_82 = arith.extui %eq3A_81 : vector<1x128xi1> to vector<1x128xi32>
    %convert_element_type3A_83 = arith.sitofp %convert_element_type3A_82 : vector<1x128xi32> to vector<1x128xf32>
    %slice3A_84 = vector.extract_strided_slice %get3A_65 {offsets = [0, 4], sizes = [1, 1], strides = [1, 1]} : vector<1x15xi32> to vector<1x1xi32>
    %eq3A_85 = vector.broadcast %slice3A_84 : vector<1x1xi32> to vector<1x128xi32>
    %eq3A_86 = arith.cmpi eq, %eq3A_85, %iota3A : vector<1x128xi32>
    %convert_element_type3A_87 = arith.extui %eq3A_86 : vector<1x128xi1> to vector<1x128xi32>
    %convert_element_type3A_88 = arith.sitofp %convert_element_type3A_87 : vector<1x128xi32> to vector<1x128xf32>
    %slice3A_89 = vector.extract_strided_slice %get3A_65 {offsets = [0, 5], sizes = [1, 1], strides = [1, 1]} : vector<1x15xi32> to vector<1x1xi32>
    %eq3A_90 = vector.broadcast %slice3A_89 : vector<1x1xi32> to vector<1x128xi32>
    %eq3A_91 = arith.cmpi eq, %eq3A_90, %iota3A : vector<1x128xi32>
    %convert_element_type3A_92 = arith.extui %eq3A_91 : vector<1x128xi1> to vector<1x128xi32>
    %convert_element_type3A_93 = arith.sitofp %convert_element_type3A_92 : vector<1x128xi32> to vector<1x128xf32>
    %slice3A_94 = vector.extract_strided_slice %get3A_65 {offsets = [0, 6], sizes = [1, 1], strides = [1, 1]} : vector<1x15xi32> to vector<1x1xi32>
    %eq3A_95 = vector.broadcast %slice3A_94 : vector<1x1xi32> to vector<1x128xi32>
    %eq3A_96 = arith.cmpi eq, %eq3A_95, %iota3A : vector<1x128xi32>
    %convert_element_type3A_97 = arith.extui %eq3A_96 : vector<1x128xi1> to vector<1x128xi32>
    %convert_element_type3A_98 = arith.sitofp %convert_element_type3A_97 : vector<1x128xi32> to vector<1x128xf32>
    %slice3A_99 = vector.extract_strided_slice %get3A_65 {offsets = [0, 7], sizes = [1, 1], strides = [1, 1]} : vector<1x15xi32> to vector<1x1xi32>
    %eq3A_100 = vector.broadcast %slice3A_99 : vector<1x1xi32> to vector<1x128xi32>
    %eq3A_101 = arith.cmpi eq, %eq3A_100, %iota3A : vector<1x128xi32>
    %convert_element_type3A_102 = arith.extui %eq3A_101 : vector<1x128xi1> to vector<1x128xi32>
    %convert_element_type3A_103 = arith.sitofp %convert_element_type3A_102 : vector<1x128xi32> to vector<1x128xf32>
    %slice3A_104 = vector.extract_strided_slice %get3A_65 {offsets = [0, 8], sizes = [1, 1], strides = [1, 1]} : vector<1x15xi32> to vector<1x1xi32>
    %eq3A_105 = vector.broadcast %slice3A_104 : vector<1x1xi32> to vector<1x128xi32>
    %eq3A_106 = arith.cmpi eq, %eq3A_105, %iota3A : vector<1x128xi32>
    %convert_element_type3A_107 = arith.extui %eq3A_106 : vector<1x128xi1> to vector<1x128xi32>
    %convert_element_type3A_108 = arith.sitofp %convert_element_type3A_107 : vector<1x128xi32> to vector<1x128xf32>
    %slice3A_109 = vector.extract_strided_slice %get3A_65 {offsets = [0, 9], sizes = [1, 1], strides = [1, 1]} : vector<1x15xi32> to vector<1x1xi32>
    %eq3A_110 = vector.broadcast %slice3A_109 : vector<1x1xi32> to vector<1x128xi32>
    %eq3A_111 = arith.cmpi eq, %eq3A_110, %iota3A : vector<1x128xi32>
    %convert_element_type3A_112 = arith.extui %eq3A_111 : vector<1x128xi1> to vector<1x128xi32>
    %convert_element_type3A_113 = arith.sitofp %convert_element_type3A_112 : vector<1x128xi32> to vector<1x128xf32>
    %slice3A_114 = vector.extract_strided_slice %get3A_65 {offsets = [0, 10], sizes = [1, 1], strides = [1, 1]} : vector<1x15xi32> to vector<1x1xi32>
    %eq3A_115 = vector.broadcast %slice3A_114 : vector<1x1xi32> to vector<1x128xi32>
    %eq3A_116 = arith.cmpi eq, %eq3A_115, %iota3A : vector<1x128xi32>
    %convert_element_type3A_117 = arith.extui %eq3A_116 : vector<1x128xi1> to vector<1x128xi32>
    %convert_element_type3A_118 = arith.sitofp %convert_element_type3A_117 : vector<1x128xi32> to vector<1x128xf32>
    %slice3A_119 = vector.extract_strided_slice %get3A_65 {offsets = [0, 11], sizes = [1, 1], strides = [1, 1]} : vector<1x15xi32> to vector<1x1xi32>
    %eq3A_120 = vector.broadcast %slice3A_119 : vector<1x1xi32> to vector<1x128xi32>
    %eq3A_121 = arith.cmpi eq, %eq3A_120, %iota3A : vector<1x128xi32>
    %convert_element_type3A_122 = arith.extui %eq3A_121 : vector<1x128xi1> to vector<1x128xi32>
    %convert_element_type3A_123 = arith.sitofp %convert_element_type3A_122 : vector<1x128xi32> to vector<1x128xf32>
    %slice3A_124 = vector.extract_strided_slice %get3A_65 {offsets = [0, 12], sizes = [1, 1], strides = [1, 1]} : vector<1x15xi32> to vector<1x1xi32>
    %eq3A_125 = vector.broadcast %slice3A_124 : vector<1x1xi32> to vector<1x128xi32>
    %eq3A_126 = arith.cmpi eq, %eq3A_125, %iota3A : vector<1x128xi32>
    %convert_element_type3A_127 = arith.extui %eq3A_126 : vector<1x128xi1> to vector<1x128xi32>
    %convert_element_type3A_128 = arith.sitofp %convert_element_type3A_127 : vector<1x128xi32> to vector<1x128xf32>
    %slice3A_129 = vector.extract_strided_slice %get3A_65 {offsets = [0, 13], sizes = [1, 1], strides = [1, 1]} : vector<1x15xi32> to vector<1x1xi32>
    %eq3A_130 = vector.broadcast %slice3A_129 : vector<1x1xi32> to vector<1x128xi32>
    %eq3A_131 = arith.cmpi eq, %eq3A_130, %iota3A : vector<1x128xi32>
    %convert_element_type3A_132 = arith.extui %eq3A_131 : vector<1x128xi1> to vector<1x128xi32>
    %convert_element_type3A_133 = arith.sitofp %convert_element_type3A_132 : vector<1x128xi32> to vector<1x128xf32>
    %slice3A_134 = vector.extract_strided_slice %get3A_65 {offsets = [0, 14], sizes = [1, 1], strides = [1, 1]} : vector<1x15xi32> to vector<1x1xi32>
    %eq3A_135 = vector.broadcast %slice3A_134 : vector<1x1xi32> to vector<1x128xi32>
    %eq3A_136 = arith.cmpi eq, %eq3A_135, %iota3A : vector<1x128xi32>
    %convert_element_type3A_137 = arith.extui %eq3A_136 : vector<1x128xi1> to vector<1x128xi32>
    %convert_element_type3A_138 = arith.sitofp %convert_element_type3A_137 : vector<1x128xi32> to vector<1x128xf32>
    %concatenate3A_139 = tpu.concatenate %convert_element_type3A_68, %convert_element_type3A_73, %convert_element_type3A_78, %convert_element_type3A_83, %convert_element_type3A_88, %convert_element_type3A_93, %convert_element_type3A_98, %convert_element_type3A_103, %convert_element_type3A_108, %convert_element_type3A_113, %convert_element_type3A_118, %convert_element_type3A_123, %convert_element_type3A_128, %convert_element_type3A_133, %convert_element_type3A_138 in 0 : vector<1x128xf32>, vector<1x128xf32>, vector<1x128xf32>, vector<1x128xf32>, vector<1x128xf32>, vector<1x128xf32>, vector<1x128xf32>, vector<1x128xf32>, vector<1x128xf32>, vector<1x128xf32>, vector<1x128xf32>, vector<1x128xf32>, vector<1x128xf32>, vector<1x128xf32>, vector<1x128xf32> -> vector<15x128xf32>
    %get3A_140 = arith.constant 0 : index
    %get3A_141 = arith.constant 0 : index
    %get3A_142 = vector.load %arg12[%get3A_140, %get3A_141] : memref<256x256xf32, #tpu.memory_space<vmem>>, vector<256x256xf32>
    %dot_general3A_143 = arith.constant dense<0.000000e+00> : vector<128x256xf32>
    %dot_general3A_144 = tpu.matmul %reduce_max3A_60, %get3A_142, %dot_general3A_143 {dimension_numbers = #tpu.dot_dimension_numbers<[1], [0], [0], [1], [0, 0, 1, 1], [], []>, transpose_lhs_hint = false} : vector<128x256xf32>, vector<256x256xf32>, vector<128x256xf32> -> vector<128x256xf32>
    %dot_general3A_145 = arith.constant dense<0.000000e+00> : vector<15x256xf32>
    %dot_general3A_146 = tpu.matmul %concatenate3A_139, %dot_general3A_144, %dot_general3A_145 {dimension_numbers = #tpu.dot_dimension_numbers<[1], [0], [0], [1], [0, 0, 1, 1], [], []>, transpose_lhs_hint = false} : vector<15x128xf32>, vector<128x256xf32>, vector<15x256xf32> -> vector<15x256xf32>
    %get3A_147 = arith.constant 0 : index
    %get3A_148 = arith.constant 0 : index
    %get3A_149 = arith.constant 0 : index
    %get3A_150 = vector.load %arg3[%get3A_147, %get3A_148, %get3A_149] : memref<1x1x45xf32, #tpu.memory_space<vmem>>, vector<1x1x45xf32>
    %get3A_151 = vector.shape_cast %get3A_150 : vector<1x1x45xf32> to vector<1x45xf32>
    %get3A_152 = arith.constant 0 : index
    %get3A_153 = arith.constant 0 : index
    %get3A_154 = vector.load %arg11[%get3A_152, %get3A_153] : memref<45x3840xf32, #tpu.memory_space<vmem>>, vector<45x3840xf32>
    %dot_general3A_155 = arith.constant dense<0.000000e+00> : vector<1x3840xf32>
    %dot_general3A_156 = tpu.matmul %get3A_151, %get3A_154, %dot_general3A_155 {dimension_numbers = #tpu.dot_dimension_numbers<[1], [0], [0], [1], [0, 0, 1, 1], [], []>, transpose_lhs_hint = false} : vector<1x45xf32>, vector<45x3840xf32>, vector<1x3840xf32> -> vector<1x3840xf32>
    %slice3A_157 = vector.extract_strided_slice %dot_general3A_156 {offsets = [0, 0], sizes = [1, 256], strides = [1, 1]} : vector<1x3840xf32> to vector<1x256xf32>
    %slice3A_158 = vector.extract_strided_slice %dot_general3A_156 {offsets = [0, 256], sizes = [1, 256], strides = [1, 1]} : vector<1x3840xf32> to vector<1x256xf32>
    %slice3A_159 = vector.extract_strided_slice %dot_general3A_156 {offsets = [0, 512], sizes = [1, 256], strides = [1, 1]} : vector<1x3840xf32> to vector<1x256xf32>
    %slice3A_160 = vector.extract_strided_slice %dot_general3A_156 {offsets = [0, 768], sizes = [1, 256], strides = [1, 1]} : vector<1x3840xf32> to vector<1x256xf32>
    %slice3A_161 = vector.extract_strided_slice %dot_general3A_156 {offsets = [0, 1024], sizes = [1, 256], strides = [1, 1]} : vector<1x3840xf32> to vector<1x256xf32>
    %slice3A_162 = vector.extract_strided_slice %dot_general3A_156 {offsets = [0, 1280], sizes = [1, 256], strides = [1, 1]} : vector<1x3840xf32> to vector<1x256xf32>
    %slice3A_163 = vector.extract_strided_slice %dot_general3A_156 {offsets = [0, 1536], sizes = [1, 256], strides = [1, 1]} : vector<1x3840xf32> to vector<1x256xf32>
    %slice3A_164 = vector.extract_strided_slice %dot_general3A_156 {offsets = [0, 1792], sizes = [1, 256], strides = [1, 1]} : vector<1x3840xf32> to vector<1x256xf32>
    %slice3A_165 = vector.extract_strided_slice %dot_general3A_156 {offsets = [0, 2048], sizes = [1, 256], strides = [1, 1]} : vector<1x3840xf32> to vector<1x256xf32>
    %slice3A_166 = vector.extract_strided_slice %dot_general3A_156 {offsets = [0, 2304], sizes = [1, 256], strides = [1, 1]} : vector<1x3840xf32> to vector<1x256xf32>
    %slice3A_167 = vector.extract_strided_slice %dot_general3A_156 {offsets = [0, 2560], sizes = [1, 256], strides = [1, 1]} : vector<1x3840xf32> to vector<1x256xf32>
    %slice3A_168 = vector.extract_strided_slice %dot_general3A_156 {offsets = [0, 2816], sizes = [1, 256], strides = [1, 1]} : vector<1x3840xf32> to vector<1x256xf32>
    %slice3A_169 = vector.extract_strided_slice %dot_general3A_156 {offsets = [0, 3072], sizes = [1, 256], strides = [1, 1]} : vector<1x3840xf32> to vector<1x256xf32>
    %slice3A_170 = vector.extract_strided_slice %dot_general3A_156 {offsets = [0, 3328], sizes = [1, 256], strides = [1, 1]} : vector<1x3840xf32> to vector<1x256xf32>
    %slice3A_171 = vector.extract_strided_slice %dot_general3A_156 {offsets = [0, 3584], sizes = [1, 256], strides = [1, 1]} : vector<1x3840xf32> to vector<1x256xf32>
    %concatenate3A_172 = tpu.concatenate %slice3A_157, %slice3A_158, %slice3A_159, %slice3A_160, %slice3A_161, %slice3A_162, %slice3A_163, %slice3A_164, %slice3A_165, %slice3A_166, %slice3A_167, %slice3A_168, %slice3A_169, %slice3A_170, %slice3A_171 in 0 : vector<1x256xf32>, vector<1x256xf32>, vector<1x256xf32>, vector<1x256xf32>, vector<1x256xf32>, vector<1x256xf32>, vector<1x256xf32>, vector<1x256xf32>, vector<1x256xf32>, vector<1x256xf32>, vector<1x256xf32>, vector<1x256xf32>, vector<1x256xf32>, vector<1x256xf32>, vector<1x256xf32> -> vector<15x256xf32>
    %add3A_173 = arith.addf %concatenate3A_172, %dot_general3A_146 : vector<15x256xf32>
    %get3A_174 = arith.constant 0 : index
    %get3A_175 = arith.constant 0 : index
    %get3A_176 = vector.load %arg13[%get3A_174, %get3A_175] : memref<1x256xf32, #tpu.memory_space<vmem>>, vector<1x256xf32>
    %add3A_177 = vector.broadcast %get3A_176 : vector<1x256xf32> to vector<15x256xf32>
    %add3A_178 = arith.addf %add3A_173, %add3A_177 : vector<15x256xf32>
    %max3A_179 = arith.constant 0.000000e+00 : f32
    %max3A_180 = vector.broadcast %max3A_179 : f32 to vector<15x256xf32>
    %max3A_181 = arith.maximumf %add3A_178, %max3A_180 : vector<15x256xf32>
    %get3A_182 = arith.constant 0 : index
    %get3A_183 = arith.constant 0 : index
    %get3A_184 = vector.load %arg14[%get3A_182, %get3A_183] : memref<256x512xf32, #tpu.memory_space<vmem>>, vector<256x512xf32>
    %dot_general3A_185 = arith.constant dense<0.000000e+00> : vector<15x512xf32>
    %dot_general3A_186 = tpu.matmul %max3A_181, %get3A_184, %dot_general3A_185 {dimension_numbers = #tpu.dot_dimension_numbers<[1], [0], [0], [1], [0, 0, 1, 1], [], []>, transpose_lhs_hint = false} : vector<15x256xf32>, vector<256x512xf32>, vector<15x512xf32> -> vector<15x512xf32>
    %get3A_187 = arith.constant 0 : index
    %get3A_188 = arith.constant 0 : index
    %get3A_189 = vector.load %arg15[%get3A_187, %get3A_188] : memref<1x512xf32, #tpu.memory_space<vmem>>, vector<1x512xf32>
    %add3A_190 = vector.broadcast %get3A_189 : vector<1x512xf32> to vector<15x512xf32>
    %add3A_191 = arith.addf %dot_general3A_186, %add3A_190 : vector<15x512xf32>
    %max3A_192 = arith.constant 0.000000e+00 : f32
    %max3A_193 = vector.broadcast %max3A_192 : f32 to vector<15x512xf32>
    %max3A_194 = arith.maximumf %add3A_191, %max3A_193 : vector<15x512xf32>
    %get3A_195 = arith.constant 0 : index
    %get3A_196 = arith.constant 0 : index
    %get3A_197 = vector.load %arg16[%get3A_195, %get3A_196] : memref<512x1024xf32, #tpu.memory_space<vmem>>, vector<512x1024xf32>
    %dot_general3A_198 = arith.constant dense<0.000000e+00> : vector<15x1024xf32>
    %dot_general3A_199 = tpu.matmul %max3A_194, %get3A_197, %dot_general3A_198 {dimension_numbers = #tpu.dot_dimension_numbers<[1], [0], [0], [1], [0, 0, 1, 1], [], []>, transpose_lhs_hint = false} : vector<15x512xf32>, vector<512x1024xf32>, vector<15x1024xf32> -> vector<15x1024xf32>
    %get3A_200 = arith.constant 0 : index
    %get3A_201 = arith.constant 0 : index
    %get3A_202 = vector.load %arg17[%get3A_200, %get3A_201] : memref<1x1024xf32, #tpu.memory_space<vmem>>, vector<1x1024xf32>
    %add3A_203 = vector.broadcast %get3A_202 : vector<1x1024xf32> to vector<15x1024xf32>
    %add3A_204 = arith.addf %dot_general3A_199, %add3A_203 : vector<15x1024xf32>
    %max3A_205 = arith.constant 0.000000e+00 : f32
    %max3A_206 = vector.broadcast %max3A_205 : f32 to vector<15x1024xf32>
    %max3A_207 = arith.maximumf %add3A_204, %max3A_206 : vector<15x1024xf32>
    %reduce_max3A_208 = arith.constant dense<0xFF800000> : vector<1024xf32>
    %reduce_max3A_209 = vector.multi_reduction <maximumf>, %max3A_207, %reduce_max3A_208 [0] : vector<15x1024xf32> to vector<1024xf32>
    %broadcast_in_dim3A = vector.shape_cast %reduce_max3A_209 : vector<1024xf32> to vector<1x1024xf32>
    %swap3A = arith.constant 0 : index
    %swap3A_210 = arith.constant 0 : index
    %swap3A_211 = arith.constant 0 : index
    %swap3A_212 = vector.load %arg18[%swap3A, %swap3A_210, %swap3A_211] : memref<1x1x1024xf32, #tpu.memory_space<vmem>>, vector<1x1x1024xf32>
    %swap3A_213 = vector.shape_cast %swap3A_212 : vector<1x1x1024xf32> to vector<1x1024xf32>
    %swap3A_214 = vector.shape_cast %broadcast_in_dim3A : vector<1x1024xf32> to vector<1x1x1024xf32>
    tpu.vector_store %arg18[%swap3A, %swap3A_210, %swap3A_211], %swap3A_214 {strides = array<i32>} : memref<1x1x1024xf32, #tpu.memory_space<vmem>>, vector<1x1x1024xf32>,
    return
  }
  func.func @transform_0(%arg0: i32) -> (i32, i32, i32) {
    %c0_i32 = arith.constant 0 : i32
    %c0_i32_0 = arith.constant 0 : i32
    %c0_i32_1 = arith.constant 0 : i32
    return %arg0, %c0_i32, %c0_i32_0 : i32, i32, i32
  }
  func.func @transform_1(%arg0: i32) -> (i32, i32, i32) {
    %c0_i32 = arith.constant 0 : i32
    %c0_i32_0 = arith.constant 0 : i32
    %c0_i32_1 = arith.constant 0 : i32
    return %arg0, %c0_i32, %c0_i32_0 : i32, i32, i32
  }
  func.func @transform_2(%arg0: i32) -> (i32, i32, i32) {
    %c0_i32 = arith.constant 0 : i32
    %c0_i32_0 = arith.constant 0 : i32
    %c0_i32_1 = arith.constant 0 : i32
    return %arg0, %c0_i32, %c0_i32_0 : i32, i32, i32
  }
  func.func @transform_3(%arg0: i32) -> (i32, i32, i32) {
    %c0_i32 = arith.constant 0 : i32
    %c0_i32_0 = arith.constant 0 : i32
    %c0_i32_1 = arith.constant 0 : i32
    return %arg0, %c0_i32, %c0_i32_0 : i32, i32, i32
  }
  func.func @transform_4(%arg0: i32) -> (i32, i32) {
    %c0_i32 = arith.constant 0 : i32
    %c0_i32_0 = arith.constant 0 : i32
    %c0_i32_1 = arith.constant 0 : i32
    return %c0_i32, %c0_i32_0 : i32, i32
  }
  func.func @transform_5(%arg0: i32) -> (i32, i32) {
    %c0_i32 = arith.constant 0 : i32
    %c0_i32_0 = arith.constant 0 : i32
    %c0_i32_1 = arith.constant 0 : i32
    return %c0_i32, %c0_i32_0 : i32, i32
  }
  func.func @transform_6(%arg0: i32) -> (i32, i32) {
    %c0_i32 = arith.constant 0 : i32
    %c0_i32_0 = arith.constant 0 : i32
    %c0_i32_1 = arith.constant 0 : i32
    return %c0_i32, %c0_i32_0 : i32, i32
  }
  func.func @transform_7(%arg0: i32) -> (i32, i32) {
    %c0_i32 = arith.constant 0 : i32
    %c0_i32_0 = arith.constant 0 : i32
    %c0_i32_1 = arith.constant 0 : i32
    return %c0_i32, %c0_i32_0 : i32, i32
  }
  func.func @transform_8(%arg0: i32) -> (i32, i32) {
    %c0_i32 = arith.constant 0 : i32
    %c0_i32_0 = arith.constant 0 : i32
    %c0_i32_1 = arith.constant 0 : i32
    return %c0_i32, %c0_i32_0 : i32, i32
  }
  func.func @transform_9(%arg0: i32) -> (i32, i32) {
    %c0_i32 = arith.constant 0 : i32
    %c0_i32_0 = arith.constant 0 : i32
    %c0_i32_1 = arith.constant 0 : i32
    return %c0_i32, %c0_i32_0 : i32, i32
  }
  func.func @transform_10(%arg0: i32) -> (i32, i32) {
    %c0_i32 = arith.constant 0 : i32
    %c0_i32_0 = arith.constant 0 : i32
    %c0_i32_1 = arith.constant 0 : i32
    return %c0_i32, %c0_i32_0 : i32, i32
  }
  func.func @transform_11(%arg0: i32) -> (i32, i32) {
    %c0_i32 = arith.constant 0 : i32
    %c0_i32_0 = arith.constant 0 : i32
    %c0_i32_1 = arith.constant 0 : i32
    return %c0_i32, %c0_i32_0 : i32, i32
  }
  func.func @transform_12(%arg0: i32) -> (i32, i32) {
    %c0_i32 = arith.constant 0 : i32
    %c0_i32_0 = arith.constant 0 : i32
    %c0_i32_1 = arith.constant 0 : i32
    return %c0_i32, %c0_i32_0 : i32, i32
  }
  func.func @transform_13(%arg0: i32) -> (i32, i32) {
    %c0_i32 = arith.constant 0 : i32
    %c0_i32_0 = arith.constant 0 : i32
    %c0_i32_1 = arith.constant 0 : i32
    return %c0_i32, %c0_i32_0 : i32, i32
  }
  func.func @transform_14(%arg0: i32) -> (i32, i32) {
    %c0_i32 = arith.constant 0 : i32
    %c0_i32_0 = arith.constant 0 : i32
    %c0_i32_1 = arith.constant 0 : i32
    return %c0_i32, %c0_i32_0 : i32, i32
  }
  func.func @transform_15(%arg0: i32) -> (i32, i32) {
    %c0_i32 = arith.constant 0 : i32
    %c0_i32_0 = arith.constant 0 : i32
    %c0_i32_1 = arith.constant 0 : i32
    return %c0_i32, %c0_i32_0 : i32, i32
  }
  func.func @transform_16(%arg0: i32) -> (i32, i32) {
    %c0_i32 = arith.constant 0 : i32
    %c0_i32_0 = arith.constant 0 : i32
    %c0_i32_1 = arith.constant 0 : i32
    return %c0_i32, %c0_i32_0 : i32, i32
  }
  func.func @transform_17(%arg0: i32) -> (i32, i32, i32) {
    %c0_i32 = arith.constant 0 : i32
    %c0_i32_0 = arith.constant 0 : i32
    %c0_i32_1 = arith.constant 0 : i32
    return %arg0, %c0_i32, %c0_i32_0 : i32, i32, i32
  }
}

module attributes {stable_mosaic.version = 14 : i64} {
  func.func @_head_kernel(%arg0: memref<64x1024xf32, #tpu.memory_space<vmem>>, %arg1: memref<1024x512xf32, #tpu.memory_space<vmem>>, %arg2: memref<1x512xf32, #tpu.memory_space<vmem>>, %arg3: memref<512x256xf32, #tpu.memory_space<vmem>>, %arg4: memref<1x256xf32, #tpu.memory_space<vmem>>, %arg5: memref<256x40xf32, #tpu.memory_space<vmem>>, %arg6: memref<1x40xf32, #tpu.memory_space<vmem>>, %arg7: memref<1x512xf32, #tpu.memory_space<vmem>>, %arg8: memref<1x512xf32, #tpu.memory_space<vmem>>, %arg9: memref<1x256xf32, #tpu.memory_space<vmem>>, %arg10: memref<1x256xf32, #tpu.memory_space<vmem>>, %arg11: memref<64x40xf32, #tpu.memory_space<vmem>>) attributes {dimension_semantics = [], scalar_prefetch = 0 : i64, scratch_operands = 0 : i64, tpu.core_type = #tpu.core_type<tc>} {
    %get3A = arith.constant 0 : index
    %get3A_0 = arith.constant 0 : index
    %get3A_1 = vector.load %arg0[%get3A, %get3A_0] : memref<64x1024xf32, #tpu.memory_space<vmem>>, vector<64x1024xf32>
    %get3A_2 = arith.constant 0 : index
    %get3A_3 = arith.constant 0 : index
    %get3A_4 = vector.load %arg1[%get3A_2, %get3A_3] : memref<1024x512xf32, #tpu.memory_space<vmem>>, vector<1024x512xf32>
    %dot_general3A = arith.constant dense<0.000000e+00> : vector<64x512xf32>
    %dot_general3A_5 = tpu.matmul %get3A_1, %get3A_4, %dot_general3A {dimension_numbers = #tpu.dot_dimension_numbers<[1], [0], [0], [1], [0, 0, 1, 1], [], []>, transpose_lhs_hint = false} : vector<64x1024xf32>, vector<1024x512xf32>, vector<64x512xf32> -> vector<64x512xf32>
    %get3A_6 = arith.constant 0 : index
    %get3A_7 = arith.constant 0 : index
    %get3A_8 = vector.load %arg2[%get3A_6, %get3A_7] : memref<1x512xf32, #tpu.memory_space<vmem>>, vector<1x512xf32>
    %add3A = vector.broadcast %get3A_8 : vector<1x512xf32> to vector<64x512xf32>
    %add3A_9 = arith.addf %dot_general3A_5, %add3A : vector<64x512xf32>
    %get3A_10 = arith.constant 0 : index
    %get3A_11 = arith.constant 0 : index
    %get3A_12 = vector.load %arg7[%get3A_10, %get3A_11] : memref<1x512xf32, #tpu.memory_space<vmem>>, vector<1x512xf32>
    %get3A_13 = arith.constant 0 : index
    %get3A_14 = arith.constant 0 : index
    %get3A_15 = vector.load %arg8[%get3A_13, %get3A_14] : memref<1x512xf32, #tpu.memory_space<vmem>>, vector<1x512xf32>
    %reduce_sum3A = arith.constant dense<0.000000e+00> : vector<512xf32>
    %reduce_sum3A_16 = vector.multi_reduction <add>, %add3A_9, %reduce_sum3A [0] : vector<64x512xf32> to vector<512xf32>
    %broadcast_in_dim3A = vector.shape_cast %reduce_sum3A_16 : vector<512xf32> to vector<1x512xf32>
    %div3A = arith.constant 6.400000e+01 : f32
    %div3A_17 = vector.broadcast %div3A : f32 to vector<1x512xf32>
    %div3A_18 = arith.divf %broadcast_in_dim3A, %div3A_17 : vector<1x512xf32>
    %sub3A = vector.broadcast %div3A_18 : vector<1x512xf32> to vector<64x512xf32>
    %sub3A_19 = arith.subf %add3A_9, %sub3A : vector<64x512xf32>
    %sub3A_20 = vector.broadcast %div3A_18 : vector<1x512xf32> to vector<64x512xf32>
    %sub3A_21 = arith.subf %add3A_9, %sub3A_20 : vector<64x512xf32>
    %mul3A = arith.mulf %sub3A_19, %sub3A_21 : vector<64x512xf32>
    %reduce_sum3A_22 = arith.constant dense<0.000000e+00> : vector<512xf32>
    %reduce_sum3A_23 = vector.multi_reduction <add>, %mul3A, %reduce_sum3A_22 [0] : vector<64x512xf32> to vector<512xf32>
    %broadcast_in_dim3A_24 = vector.shape_cast %reduce_sum3A_23 : vector<512xf32> to vector<1x512xf32>
    %div3A_25 = arith.constant 6.400000e+01 : f32
    %div3A_26 = vector.broadcast %div3A_25 : f32 to vector<1x512xf32>
    %div3A_27 = arith.divf %broadcast_in_dim3A_24, %div3A_26 : vector<1x512xf32>
    %sub3A_28 = vector.broadcast %div3A_18 : vector<1x512xf32> to vector<64x512xf32>
    %sub3A_29 = arith.subf %add3A_9, %sub3A_28 : vector<64x512xf32>
    %add3A_30 = arith.constant 9.99999974E-6 : f32
    %add3A_31 = vector.broadcast %add3A_30 : f32 to vector<1x512xf32>
    %add3A_32 = arith.addf %div3A_27, %add3A_31 : vector<1x512xf32>
    %sqrt3A = math.sqrt %add3A_32 : vector<1x512xf32>
    %div3A_33 = vector.broadcast %sqrt3A : vector<1x512xf32> to vector<64x512xf32>
    %div3A_34 = arith.divf %sub3A_29, %div3A_33 : vector<64x512xf32>
    %mul3A_35 = vector.broadcast %get3A_12 : vector<1x512xf32> to vector<64x512xf32>
    %mul3A_36 = arith.mulf %div3A_34, %mul3A_35 : vector<64x512xf32>
    %add3A_37 = vector.broadcast %get3A_15 : vector<1x512xf32> to vector<64x512xf32>
    %add3A_38 = arith.addf %mul3A_36, %add3A_37 : vector<64x512xf32>
    %max3A = arith.constant 0.000000e+00 : f32
    %max3A_39 = vector.broadcast %max3A : f32 to vector<64x512xf32>
    %max3A_40 = arith.maximumf %add3A_38, %max3A_39 : vector<64x512xf32>
    %get3A_41 = arith.constant 0 : index
    %get3A_42 = arith.constant 0 : index
    %get3A_43 = vector.load %arg3[%get3A_41, %get3A_42] : memref<512x256xf32, #tpu.memory_space<vmem>>, vector<512x256xf32>
    %dot_general3A_44 = arith.constant dense<0.000000e+00> : vector<64x256xf32>
    %dot_general3A_45 = tpu.matmul %max3A_40, %get3A_43, %dot_general3A_44 {dimension_numbers = #tpu.dot_dimension_numbers<[1], [0], [0], [1], [0, 0, 1, 1], [], []>, transpose_lhs_hint = false} : vector<64x512xf32>, vector<512x256xf32>, vector<64x256xf32> -> vector<64x256xf32>
    %get3A_46 = arith.constant 0 : index
    %get3A_47 = arith.constant 0 : index
    %get3A_48 = vector.load %arg4[%get3A_46, %get3A_47] : memref<1x256xf32, #tpu.memory_space<vmem>>, vector<1x256xf32>
    %add3A_49 = vector.broadcast %get3A_48 : vector<1x256xf32> to vector<64x256xf32>
    %add3A_50 = arith.addf %dot_general3A_45, %add3A_49 : vector<64x256xf32>
    %get3A_51 = arith.constant 0 : index
    %get3A_52 = arith.constant 0 : index
    %get3A_53 = vector.load %arg9[%get3A_51, %get3A_52] : memref<1x256xf32, #tpu.memory_space<vmem>>, vector<1x256xf32>
    %get3A_54 = arith.constant 0 : index
    %get3A_55 = arith.constant 0 : index
    %get3A_56 = vector.load %arg10[%get3A_54, %get3A_55] : memref<1x256xf32, #tpu.memory_space<vmem>>, vector<1x256xf32>
    %reduce_sum3A_57 = arith.constant dense<0.000000e+00> : vector<256xf32>
    %reduce_sum3A_58 = vector.multi_reduction <add>, %add3A_50, %reduce_sum3A_57 [0] : vector<64x256xf32> to vector<256xf32>
    %broadcast_in_dim3A_59 = vector.shape_cast %reduce_sum3A_58 : vector<256xf32> to vector<1x256xf32>
    %div3A_60 = arith.constant 6.400000e+01 : f32
    %div3A_61 = vector.broadcast %div3A_60 : f32 to vector<1x256xf32>
    %div3A_62 = arith.divf %broadcast_in_dim3A_59, %div3A_61 : vector<1x256xf32>
    %sub3A_63 = vector.broadcast %div3A_62 : vector<1x256xf32> to vector<64x256xf32>
    %sub3A_64 = arith.subf %add3A_50, %sub3A_63 : vector<64x256xf32>
    %sub3A_65 = vector.broadcast %div3A_62 : vector<1x256xf32> to vector<64x256xf32>
    %sub3A_66 = arith.subf %add3A_50, %sub3A_65 : vector<64x256xf32>
    %mul3A_67 = arith.mulf %sub3A_64, %sub3A_66 : vector<64x256xf32>
    %reduce_sum3A_68 = arith.constant dense<0.000000e+00> : vector<256xf32>
    %reduce_sum3A_69 = vector.multi_reduction <add>, %mul3A_67, %reduce_sum3A_68 [0] : vector<64x256xf32> to vector<256xf32>
    %broadcast_in_dim3A_70 = vector.shape_cast %reduce_sum3A_69 : vector<256xf32> to vector<1x256xf32>
    %div3A_71 = arith.constant 6.400000e+01 : f32
    %div3A_72 = vector.broadcast %div3A_71 : f32 to vector<1x256xf32>
    %div3A_73 = arith.divf %broadcast_in_dim3A_70, %div3A_72 : vector<1x256xf32>
    %sub3A_74 = vector.broadcast %div3A_62 : vector<1x256xf32> to vector<64x256xf32>
    %sub3A_75 = arith.subf %add3A_50, %sub3A_74 : vector<64x256xf32>
    %add3A_76 = arith.constant 9.99999974E-6 : f32
    %add3A_77 = vector.broadcast %add3A_76 : f32 to vector<1x256xf32>
    %add3A_78 = arith.addf %div3A_73, %add3A_77 : vector<1x256xf32>
    %sqrt3A_79 = math.sqrt %add3A_78 : vector<1x256xf32>
    %div3A_80 = vector.broadcast %sqrt3A_79 : vector<1x256xf32> to vector<64x256xf32>
    %div3A_81 = arith.divf %sub3A_75, %div3A_80 : vector<64x256xf32>
    %mul3A_82 = vector.broadcast %get3A_53 : vector<1x256xf32> to vector<64x256xf32>
    %mul3A_83 = arith.mulf %div3A_81, %mul3A_82 : vector<64x256xf32>
    %add3A_84 = vector.broadcast %get3A_56 : vector<1x256xf32> to vector<64x256xf32>
    %add3A_85 = arith.addf %mul3A_83, %add3A_84 : vector<64x256xf32>
    %max3A_86 = arith.constant 0.000000e+00 : f32
    %max3A_87 = vector.broadcast %max3A_86 : f32 to vector<64x256xf32>
    %max3A_88 = arith.maximumf %add3A_85, %max3A_87 : vector<64x256xf32>
    %get3A_89 = arith.constant 0 : index
    %get3A_90 = arith.constant 0 : index
    %get3A_91 = vector.load %arg5[%get3A_89, %get3A_90] : memref<256x40xf32, #tpu.memory_space<vmem>>, vector<256x40xf32>
    %dot_general3A_92 = arith.constant dense<0.000000e+00> : vector<64x40xf32>
    %dot_general3A_93 = tpu.matmul %max3A_88, %get3A_91, %dot_general3A_92 {dimension_numbers = #tpu.dot_dimension_numbers<[1], [0], [0], [1], [0, 0, 1, 1], [], []>, transpose_lhs_hint = false} : vector<64x256xf32>, vector<256x40xf32>, vector<64x40xf32> -> vector<64x40xf32>
    %get3A_94 = arith.constant 0 : index
    %get3A_95 = arith.constant 0 : index
    %get3A_96 = vector.load %arg6[%get3A_94, %get3A_95] : memref<1x40xf32, #tpu.memory_space<vmem>>, vector<1x40xf32>
    %add3A_97 = vector.broadcast %get3A_96 : vector<1x40xf32> to vector<64x40xf32>
    %add3A_98 = arith.addf %dot_general3A_93, %add3A_97 : vector<64x40xf32>
    %reduce_max3A = arith.constant dense<0xFF800000> : vector<64xf32>
    %reduce_max3A_99 = vector.multi_reduction <maximumf>, %add3A_98, %reduce_max3A [1] : vector<64x40xf32> to vector<64xf32>
    %broadcast_in_dim3A_100 = vector.shape_cast %reduce_max3A_99 : vector<64xf32> to vector<64x1xf32>
    %sub3A_101 = vector.broadcast %broadcast_in_dim3A_100 : vector<64x1xf32> to vector<64x40xf32>
    %sub3A_102 = arith.subf %add3A_98, %sub3A_101 : vector<64x40xf32>
    %exp3A = math.exp %sub3A_102 : vector<64x40xf32>
    %reduce_sum3A_103 = arith.constant dense<0.000000e+00> : vector<64xf32>
    %reduce_sum3A_104 = vector.multi_reduction <add>, %exp3A, %reduce_sum3A_103 [1] : vector<64x40xf32> to vector<64xf32>
    %broadcast_in_dim3A_105 = vector.shape_cast %reduce_sum3A_104 : vector<64xf32> to vector<64x1xf32>
    %log3A = math.log %broadcast_in_dim3A_105 : vector<64x1xf32>
    %sub3A_106 = vector.broadcast %broadcast_in_dim3A_100 : vector<64x1xf32> to vector<64x40xf32>
    %sub3A_107 = arith.subf %add3A_98, %sub3A_106 : vector<64x40xf32>
    %sub3A_108 = vector.broadcast %log3A : vector<64x1xf32> to vector<64x40xf32>
    %sub3A_109 = arith.subf %sub3A_107, %sub3A_108 : vector<64x40xf32>
    %swap3A = arith.constant 0 : index
    %swap3A_110 = arith.constant 0 : index
    %swap3A_111 = vector.load %arg11[%swap3A, %swap3A_110] : memref<64x40xf32, #tpu.memory_space<vmem>>, vector<64x40xf32>
    tpu.vector_store %arg11[%swap3A, %swap3A_110], %sub3A_109 {strides = array<i32>} : memref<64x40xf32, #tpu.memory_space<vmem>>, vector<64x40xf32>,
    return
  }
}

</mosaic_0001>

<sc_bundles>
// kernel: kernel.6.cloned.1.call-start
scs
__scs_entry_jumppad:
0x0: {  	(pc) =	sbr.rel $0x88, $3  }
0x1: {  	(tag) =	ssettag $0x0;
	lr =	simm.s32 $0x1  }
0x2: {  	[smem:$0x3F83] =	sst lr;
	_ =	strace $0xD0000000  }
0x3: {  	_ = 	snop  }
0x4: {  	_ = 	snop  }
0x5: {  	_ = 	snop  }
0x6: {  	_ = 	snop  }
0x7: {  	_ = 	snop  }
__scs_overlays_trampoline_lowered:
0x8: {  	[smem:$0x3F92] =	sst s0  }
0x9: {  	[smem:$0x3F93] =	sst s1  }
0xa: {  	[smem:$0x3F94] =	sst s2  }
0xb: {  	[smem:$0x3F95] =	sst s3  }
0xc: {  	[smem:$0x3F96] =	sst s4  }
0xd: {  	[smem:$0x3F97] =	sst s5  }
0xe: {  	[smem:$0x3F98] =	sst s6  }
0xf: {  	[smem:$0x3F99] =	sst s7  }
0x10: {  	[smem:$0x3F9A] =	sst s8  }
0x11: {  	[smem:$0x3F9B] =	sst s9;
	s0 =	simm.s32 @!p0 $0x0  }
0x12: {  	s1 =	sld [smem:$0x3F81];
	s0 =	simm.s32 @p0 $0x1  }
0x13: {  	[smem:$0x3F9C] =	sst s0;
	s0 =	simm.s32 @!p1 $0x0  }
0x14: {  	s2 =	sld [smem:$0x3F80];
	s0 =	simm.s32 @p1 $0x1  }
0x15: {  	[smem:$0x3F9D] =	sst s0;
	s0 =	simm.s32 @!p2 $0x0  }
0x16: {  	s3 =	sld [smem:$0x3FDB];
	s0 =	simm.s32 @p2 $0x1  }
0x17: {  	s4 =	simm.s32 $0x1BF5;
	[smem:$0x3F9F] =	sst s0  }
0x18: {  	s0 =	sld [smem:$0x3F82];
	_ =	swait.ge [sflag:s4], $0x0  }
0x19: {  	s7 =	sld [smem:$0x3F83]  }
0x1a: {  	s8 =	sadd.s32 $0xFFFFE003, lr  }
0x1b: {  	s9 =	sadd.s32 $0xFFFFFEF7, lr;
	s5 =	simm.s32 $0xFFFFFFFF;
	p2 =	slt.u32 s8, $0xFFFFF086  }
0x1c: {  	p1 =	slt.u32 s9, $0xF7A;
	s5 =	simm.s32 @!p2 $0x0  }
0x1d: {  	s5 =	simm.s32 @p1 $0x1;
	p0 =	seq.s32 s7, s2  }
0x1e: {  	s7 =	smul.u32 @!p0 $0xF7A, s2;
	p2 =	seq.s32 @!p0 s5, $0x0  }
0x1f: {  	s9 =	smul.u32 $0xF7A, s1;
	s8 =	simm.s32 @!p0 $0x1BF5;
	p2 =	por !p2, p0  }
0x20: {  	[sflag:s8] =	ssyncset.s32 @!p0 $0xFFFFF086;
	s6 =	sadd.s32 @!p0 s3, s7;
	s7 =	simm.s32 @!p0 $0x108  }
0x21: {  	s3 =	sadd.s32 s3, s9;
	s6 =	sadd.s32 @!p0 $0x88, s6;
	s7 =	simm.s32 @p2 $0x1082  }
0x22: {  	[simem:s7], [sflag:s8] =	dma.local @!p0 [hbm:s6], $0xF7A  }
0x23: {  	s9 =	sor.u32 $0xD0000000, s2;
	s6 =	simm.s32 $0x108;
	_ =	swait.ge @!p0 [sflag:s8], $0x0  }
0x24: {  	s3 =	sadd.s32 $0x88, s3;
	s6 =	simm.s32 @!p1 $0x1082;
	[sflag:s4] =	ssyncset.s32 $0xFFFFF086  }
0x25: {  	[simem:s6], [sflag:s4] =	dma.local [hbm:s3], $0xF7A  }
0x26: {  	[smem:$0x3F83] =	sst s1;
	(tag) =	ssettag s2;
	_ =	strace s9  }
0x27: {  	s1 =	sld [smem:$0x3F93]  }
0x28: {  	s2 =	sld [smem:$0x3F94]  }
0x29: {  	s4 =	sld [smem:$0x3F96]  }
0x2a: {  	p0 =	seq.s32 s5, $0x0;
	s5 =	sld [smem:$0x3F97]  }
0x2b: {  	s6 =	sld [smem:$0x3F98]  }
0x2c: {  	s7 =	sld [smem:$0x3F99]  }
0x2d: {  	s3 =	simm.s32 $0x108;
	s8 =	sld [smem:$0x3F9A]  }
0x2e: {  	s3 =	simm.s32 @!p0 $0x1082;
	s9 =	sld [smem:$0x3F9B]  }
0x2f: {  	lr =	sadd.s32 s0, s3;
	s0 =	sld [smem:$0x3F92]  }
0x30: {  	s3 =	sld [smem:$0x3F95]  }
0x31: {  	[smem:$0x3F9E] =	sst s10  }
0x32: {  	s10 =	sld [smem:$0x3F9C];
	_ =	sdelay $0x3  }
0x33: {  	p0 =	seq.s32 s10, $0x1;
	s10 =	sld [smem:$0x3F9E];
	_ =	sdelay $0x3  }
0x34: {  	[smem:$0x3F9E] =	sst s10  }
0x35: {  	s10 =	sld [smem:$0x3F9D];
	_ =	sdelay $0x3  }
0x36: {  	p1 =	seq.s32 s10, $0x1;
	s10 =	sld [smem:$0x3F9E];
	_ =	sdelay $0x3  }
0x37: {  	[smem:$0x3F9E] =	sst s10  }
0x38: {  	s10 =	sld [smem:$0x3F9F]  }
0x39: {  	_ = 	snop;
	(pc) =	sbr.ind lr, $3  }
0x3a: {  	_ = 	snop  }
0x3b: {  	_ = 	snop  }
0x3c: {  	p2 =	seq.s32 s10, $0x1;
	s10 =	sld [smem:$0x3F9E]  }
0x3d: {  	_ =	shalt  }
0x3e: {  	_ =	shalt  }
0x3f: {  	_ =	shalt  }
0x40: {  	_ =	shalt  }
0x41: {  	_ =	shalt  }
0x42: {  	_ =	shalt  }
0x43: {  	_ =	shalt  }
0x44: {  	_ =	shalt  }
0x45: {  	_ =	shalt  }
0x46: {  	_ =	shalt  }
0x47: {  	_ =	shalt  }
0x48: {  	_ =	shalt  }
0x49: {  	_ =	shalt  }
0x4a: {  	_ =	shalt  }
0x4b: {  	_ =	shalt  }
0x4c: {  	_ =	shalt  }
0x4d: {  	_ =	shalt  }
0x4e: {  	_ =	shalt  }
0x4f: {  	_ =	shalt  }
0x50: {  	_ =	shalt  }
0x51: {  	_ =	shalt  }
0x52: {  	_ =	shalt  }
0x53: {  	_ =	shalt  }
0x54: {  	_ =	shalt  }
0x55: {  	_ =	shalt  }
0x56: {  	_ =	shalt  }
0x57: {  	_ =	shalt  }
0x58: {  	_ =	shalt  }
0x59: {  	_ =	shalt  }
0x5a: {  	_ =	shalt  }
0x5b: {  	_ =	shalt  }
0x5c: {  	_ =	shalt  }
0x5d: {  	_ =	shalt  }
0x5e: {  	_ =	shalt  }
0x5f: {  	_ =	shalt  }
0x60: {  	_ =	shalt  }
0x61: {  	_ =	shalt  }
0x62: {  	_ =	shalt  }
0x63: {  	_ =	shalt  }
0x64: {  	_ =	shalt  }
0x65: {  	_ =	shalt  }
0x66: {  	_ =	shalt  }
0x67: {  	_ =	shalt  }
0x68: {  	_ =	shalt  }
0x69: {  	_ =	shalt  }
0x6a: {  	_ =	shalt  }
0x6b: {  	_ =	shalt  }
0x6c: {  	_ =	shalt  }
0x6d: {  	_ =	shalt  }
0x6e: {  	_ =	shalt  }
0x6f: {  	_ =	shalt  }
0x70: {  	_ =	shalt  }
0x71: {  	_ =	shalt  }
0x72: {  	_ =	shalt  }
0x73: {  	_ =	shalt  }
0x74: {  	_ =	shalt  }
0x75: {  	_ =	shalt  }
0x76: {  	_ =	shalt  }
0x77: {  	_ =	shalt  }
0x78: {  	_ =	shalt  }
0x79: {  	_ =	shalt  }
0x7a: {  	_ =	shalt  }
0x7b: {  	_ =	shalt  }
0x7c: {  	_ =	shalt  }
0x7d: {  	_ =	shalt  }
0x7e: {  	_ =	shalt  }
0x7f: {  	_ =	shalt  }
0x80: {  	_ =	shalt  }
0x81: {  	_ =	shalt  }
0x82: {  	_ =	shalt  }
0x83: {  	_ =	shalt  }
0x84: {  	_ =	shalt  }
0x85: {  	_ =	shalt  }
0x86: {  	_ =	shalt  }
0x87: {  	_ =	shalt  }
.Lfunc_end0:
.L_simem_size_0:
called_computation_lowered:
.L_overlay_start_0:
0x88: {  	s2 =	sld [smem:$0x3FD9]  }
0x89: {  	s3 =	sld [smem:$0x3FFE];
	_ =	sdelay $0x1  }
0x8a: {  	s1 =	srdreg.scid  }
0x8b: {  	s0 =	sand.u32 $0x1, s1  }
0x8c: {  	s16 =	sshll.u32 s0, $0xA;
	s2 =	sadd.s32 s3, s2  }
0x8d: {  	s2 =	sadd.s32 s2, s16  }
0x8e: {  	[smem:$0x3FAA] =	sst s2  }
0x8f: {  	_ = 	snop  }
0x90: {  	(tm) =	ssettm $0x1  }
0x91: {  	s17 =	sld [smem:$0x3FFB];
	_ =	sdelay $0x3  }
0x92: {  	_ =	strace s17  }
0x93: {  	s2 =	sld [smem:$0x3FFC];
	_ =	sdelay $0x3  }
0x94: {  	_ =	strace s2  }
0x95: {  	s2 =	sld [smem:$0x3FFD];
	_ =	sdelay $0x3  }
0x96: {  	_ =	strace s2  }
0x97: {  	_ =	strace $0x8FFFFFFF  }
0x98: {  	s18 =	sld [smem:$0x3FDB];
	_ =	sdelay $0x1  }
0x99: {  	s19 =	simm.s32 $_scs_section_size  }
0x9a: {  	s4 =	simm.s32 $_size__tile_overlayer_lowered;
	s5 =	simm.s32 $_tile_overlayer_lowered  }
0x9b: {  	s22 =	simm.s32 $0x1BFF;
	s21 =	sshll.u32 s5, $0x1;
	s2 =	sadd.s32 s19, s18  }
0x9c: {  	s6 =	simm.s32 $0x0;
	s20 =	sshll.u32 s4, $0x1;
	s4 =	sadd.s32 s21, s2  }
0x9d: {  	[timem:s6], [sflag:s22] =	dma.local [hbm:s4], s20  }
0x9e: {  	_ =	swait.ge [sflag:s22], s20  }
0x9f: {  	s3 =	ssub.s32 $0x0, s20;
	[sflag:s22] =	ssyncset.done $0x0  }
0xa0: {  	[sflag:s22] =	ssyncadd.s32 s3;
	_ =	sdelay $0x1  }
0xa1: {  	s23 =	simm.s32 $0x1B8B  }
0xa2: {  	_ =	swait.ge [sflag:s23], $0x1  }
0xa3: {  	[sflag:s23] =	ssyncset.done $0x0  }
0xa4: {  	s25 =	simm.s32 $0x1B8E;
	s24 =	sld [smem:$0x3FFE];
	[sflag:s23] =	ssyncadd.s32 $0xFFFFFFFF  }
0xa5: {  	s26 =	simm.s32 $execute0_lowered;
	[smem:$0x3FD2] =	sst s25  }
0xa6: {  	s4 =	sshll.u32 s26, $0x1;
	_ =	strace $0x80000046;
	[dreg:$0x1] =	wrdreg $0xFFFFFFFF  }
0xa7: {  	s28 =	simm.s32 $_size_execute0_lowered;
	s2 =	sadd.s32 s2, s4;
	[dreg:$0x0] =	wrdreg $0x0  }
0xa8: {  	s4 =	sshll.u32 s28, $0x1;
	[dreg:$0x2] =	wrdreg s2  }
0xa9: {  	[dreg:$0x3] =	wrdreg s4  }
0xaa: {  	[dreg:$0x4] =	wrdreg $0xC0  }
0xab: {  	_ =	task [dreg:s6], $0x5FFFF  }
0xac: {  	[dreg:$0x1] =	wrdreg $0xFFFFFFFF  }
0xad: {  	[dreg:$0x0] =	wrdreg $0x60  }
0xae: {  	[dreg:$0x2] =	wrdreg s24  }
0xaf: {  	[dreg:$0x3] =	wrdreg $0x9  }
0xb0: {  	_ =	task.clear_ibuf [dreg:s6], $0x4FFFF;
	_ =	strace $0x90000046  }
0xb1: {  	s29 =	simm.s32 $0x9;
	_ =	strace $0x80000048  }
0xb2: {  	_ =	swait.ge [sflag:s29], $0x1  }
0xb3: {  	[sflag:s29] =	ssyncadd.s32 $0xFFFFFFFF  }
0xb4: {  	_ =	strace $0x90000048  }
0xb5: {  	_ =	sfence  }
0xb6: {  	s30 =	sld [smem:$0x0];
	_ =	sdelay $0x2  }
0xb7: {  	s31 =	sshll.u32 s1, $0xD;
	s1 =	sshrl.u32 s1, $0x2  }
0xb8: {  	s3 =	sand.u32 $0x4000, s31;
	s1 =	sadd.s32 s1, s30  }
0xb9: {  	s0 =	sor.u32 s3, s0;
	s1 =	sshll.u32 s1, $0x11  }
0xba: {  	s0 =	sor.u32 s1, s0  }
0xbb: {  	s0 =	sadd.s32 $0x8F2B, s0  }
0xbc: {  	[sflag:s0] =	ssyncadd.remote.s32 $0x1  }
0xbd: {  	_ =	sfence.sel $0xFFFF  }
0xbe: {  	[dreg:$0x0] =	wrdreg $0xFFFFFFFF;
	(pc) =	sbr.abs _section_cstart, $3  }
0xbf: {  	[dreg:$0x1] =	wrdreg $0xFFFFFFFF  }
0xc0: {  	_ =	task.clear_ibuf [dreg:s6], $0x2FFFF;
	_ =	strace $0x9FFFFFFF  }
0xc1: {  	(tm) =	ssettm $0x7FFFFFFF  }
tec
execute0_lowered:
.L_overlay_start_1:
0x0: {  	(tag) =	ssettag $0x1  }
0x1: {  	s4 =	rddreg [dreg:$0x0]  }
0x2: {  	s0 =	rddreg [dreg:$0x1];
	s2 =	simm.s32 $0x0;
	s1 =	stileid.u32  }
0x3: {  	s3 =	srdreg.scid;
	s10 =	simm.s32 $0x0;
	s6 =	smul.u32 $0x1E00, s1  }
0x4: {  	[smem:$0x7FF] =	sst s2;
	s5 =	sand.u32 $0x1, s3;
	s8 =	smul.u32 $0x1E000, s1  }
0x5: {  	s3 =	sadd.s32 $0x8E00, s4;
	s7 =	smul.u32 $0xF00, s5;
	s9 =	ssub.s32 $0x2, s5  }
0x6: {  	_ =	strace $0x80000047;
	s5 =	smul.u32 $0xF000, s5;
	s31 =	sshrl.u32 s9, $0x1  }
0x7: {  	s8 =	sadd.s32 s8, s4;
	s6 =	sadd.s32 s7, s6;
	s7 =	ssub.s32 s9, s31  }
0x8: {  	s5 =	sadd.s32 s5, s8;
	s8 =	simm.s32 $0x80;
	s6 =	sshrl.u32 s6, $0x3  }
0x9: {  	s9 =	simm.s32 $0x1;
	s5 =	sadd.s32 $0x28E00, s5;
	s6 =	sadd.s32 s6, s4  }
0xa: {  	s4 =	smax.u32 s7, $0x1;
	s7 =	simm.s32 $0x2;
	s6 =	sadd.s32 $0x5200, s6  }
.LBB2_1:
0xb: {  	s11 =	sadd.s32 $0x0, s6  }
0xc: {  	[tilespmem:s2], [sflag:$0x2] =	stream.linear.gather [hbm4b:s11+s2], $0x80, $0x38;
	[tilespmem:$0x4080] =	vst v63  }
0xd: {  	_ =	swait.ge [sflag:s7], $0x80  }
0xe: {  	[sflag:s7] =	ssyncset.done $0x0  }
0xf: {  	[sflag:s7] =	ssyncadd.s32 $0xFFFFFF80  }
0x10: {  	[tilespmem:s8], [sflag:$0x1] =	stream.indirect.gather [hbm4b:s3+s8], $0x80, s2, s8, $0xb8;
	[tilespmem:$0x4080] =	vst v63  }
0x11: {  	_ =	swait.ge [sflag:s9], $0x4000  }
0x12: {  	[sflag:s9] =	ssyncset.done $0x0  }
0x13: {  	[sflag:s9] =	ssyncadd.s32 $0xFFFFC000  }
0x14: {  	[hbm4b:s5+s2] =	stream.linear.scatter [tilespmem:s8], [sflag:$0x2], $0x4000, $0x38;
	[tilespmem:$0x4080] =	vst v63  }
0x15: {  	s12 =	simm.s32 $0x10;
	_ =	swait.ge [sflag:s7], $0x4000  }
0x16: {  	s13 =	simm.s32 $0x20;
	s11 =	sadd.s32 $0x800, s5;
	[sflag:s7] =	ssyncset.done $0x0  }
.LBB2_2:
0x17: {  	s14 =	sadd.s32 s12, s6  }
0x18: {  	[sflag:s7] =	ssyncadd.s32 $0xFFFFC000;
	s12 =	smov.u32 s13;
	s15 =	sadd.s32 $0x10, s13  }
0x19: {  	[tilespmem:s2], [sflag:$0x2] =	stream.linear.gather [hbm4b:s14+s2], $0x80, $0x38;
	[tilespmem:$0x4080] =	vst v63  }
0x1a: {  	p0 =	sne.s32 s13, $0x1D0;
	_ =	swait.ge [sflag:s7], $0x80  }
0x1b: {  	[sflag:s7] =	ssyncset.done $0x0  }
0x1c: {  	[sflag:s7] =	ssyncadd.s32 $0xFFFFFF80  }
0x1d: {  	[tilespmem:s8], [sflag:$0x1] =	stream.indirect.gather [hbm4b:s3+s8], $0x80, s2, s8, $0xb8;
	[tilespmem:$0x4080] =	vst v63  }
0x1e: {  	_ =	swait.ge [sflag:s9], $0x4000  }
.Ltmp0:
0x1f: {  	[sflag:s9] =	ssyncset.done $0x0;
	(pc) =	sbr.rel @p0 .LBB2_2-.Ltmp0, $4  }
0x20: {  	[sflag:s9] =	ssyncadd.s32 $0xFFFFC000  }
0x21: {  	[hbm4b:s11+s2] =	stream.linear.scatter [tilespmem:s8], [sflag:$0x2], $0x4000, $0x38;
	[tilespmem:$0x4080] =	vst v63  }
0x22: {  	_ =	swait.ge [sflag:s7], $0x4000  }
0x23: {  	s13 =	smov.u32 s15;
	s11 =	sadd.s32 $0x800, s11;
	[sflag:s7] =	ssyncset.done $0x0  }
0x24: {  	s12 =	sadd.s32 s12, s6;
	[sflag:s7] =	ssyncadd.s32 $0xFFFFC000  }
0x25: {  	[tilespmem:s2], [sflag:$0x2] =	stream.linear.gather [hbm4b:s12+s2], $0x80, $0x38;
	[tilespmem:$0x4080] =	vst v63  }
0x26: {  	_ =	swait.ge [sflag:s7], $0x80  }
0x27: {  	[sflag:s7] =	ssyncset.done $0x0  }
0x28: {  	[sflag:s7] =	ssyncadd.s32 $0xFFFFFF80  }
0x29: {  	[tilespmem:s8], [sflag:$0x1] =	stream.indirect.gather [hbm4b:s3+s8], $0x80, s2, s8, $0xb8;
	[tilespmem:$0x4080] =	vst v63  }
0x2a: {  	s10 =	sadd.s32 $0x1, s10;
	_ =	swait.ge [sflag:s9], $0x4000  }
0x2b: {  	p0 =	sne.s32 s10, s4;
	[sflag:s9] =	ssyncset.done $0x0  }
.Ltmp1:
0x2c: {  	[sflag:s9] =	ssyncadd.s32 $0xFFFFC000;
	(pc) =	sbr.rel @p0 .LBB2_1-.Ltmp1, $4  }
0x2d: {  	[hbm4b:s11+s2] =	stream.linear.scatter [tilespmem:s8], [sflag:$0x2], $0x4000, $0x38;
	[tilespmem:$0x4080] =	vst v63  }
0x2e: {  	_ =	swait.ge [sflag:s7], $0x4000  }
0x2f: {  	[sflag:s7] =	ssyncset.done $0x0  }
0x30: {  	[sflag:s7] =	ssyncadd.s32 $0xFFFFC000  }
0x31: {  	_ =	sfence.sel $0x180000  }
0x32: {  	[bflag:$0x0] =	sbarrier.arrive $0xFFFF  }
0x33: {  	p0 =	sne.s32 s1, $0x0;
	_ =	strace $0x90000047  }
0x34: {  	s0 =	sadd.s32 @!p0 $0x100000, s0;
	[bflag:$0x2] =	sbarrier.arrive $0xFFFF  }
0x35: {  	[sflag:s0] =	ssyncadd.tile.s32 @!p0 $0x1;
	_ =	shalt  }
.Lfunc_end2:
_tile_overlayer_lowered:
.L_overlay_start_2:
0x36: {  	(tag) =	ssettag $0x2  }
0x37: {  	s0 =	rddreg [dreg:$0x0];
	s2 =	stileid.u32  }
0x38: {  	s1 =	rddreg [dreg:$0x1];
	p0 =	sne.s32 s2, $0x0  }
0x39: {  	s3 =	rddreg [dreg:$0x2];
	[bflag:$0x3] =	sbarrier.arrive $0xFFFF;
	s2 =	simm.s32 @!p0 $0x1C02  }
0x3a: {  	[timem:s3], [sflag:s2] =	dma.local @!p0 [hbm:s0], s1  }
0x3b: {  	s0 =	simm.s32 @!p0 $0x2  }
0x3c: {  	_ =	swait.ge @!p0 [sflag:s0], s1  }
0x3d: {  	s1 =	ssub.s32 @!p0 $0x0, s1;
	[sflag:s0] =	ssyncset.done @!p0 $0x0  }
0x3e: {  	[sflag:s0] =	ssyncadd.s32 @!p0 s1  }
0x3f: {  	[bflag:$0x3] =	sbarrier.arrive $0xFFFF  }
0x40: {  	_ =	shalt  }

</sc_bundles>
